<compile_context>
chip_gen: v7x
topology: tpu7x:2x2x1
jax: 0.10.2.dev20260603
libtpu: 0.0.44.dev20260713+nightly
codegen_flags: <defaults>
</compile_context>

<pallas_src>
import math

import jax
import jax.numpy as jnp
from jax import lax
from jax.experimental import pallas as pl
from jax.experimental.pallas import tpu as pltpu
from jax.experimental.pallas import tpu_sc as plsc

import functools


def _make_sc_lookup(V, D, FLAT, L):
    info = plsc.get_sparse_core_info()
    NC, NS, NL = info.num_cores, info.num_subcores, info.num_lanes
    NW = NC * NS

    C = 128
    assert FLAT % (NW * C) == 0
    PER_W = FLAT // NW
    NCHUNK = PER_W // C
    assert NCHUNK % 2 == 0 and NCHUNK >= 4
    assert PER_W % L == 0
    assert D % NL == 0 and 2 * D == 128
    scale2 = float(D)
    C2 = C // 2

    mesh = plsc.VectorSubcoreMesh(core_axis_name="c", subcore_axis_name="s")

    @functools.partial(
        pl.kernel,
        mesh=mesh,
        compiler_params=pltpu.CompilerParams(use_tc_tiling_on_sc=False),
        out_type=jax.ShapeDtypeStruct((FLAT // 2, 2 * D), jnp.float32),
        scratch_types=[
            pltpu.VMEM((2, C), jnp.int32),
            pltpu.VMEM((2, C, D), jnp.float32),
            pltpu.VMEM((2, C2, 2 * D), jnp.float32),
            pltpu.VMEM((L, 2 * D), jnp.float32),
            pltpu.SemaphoreType.DMA,
            pltpu.SemaphoreType.DMA,
            pltpu.SemaphoreType.DMA,
            pltpu.SemaphoreType.DMA,
            pltpu.SemaphoreType.DMA,
            pltpu.SemaphoreType.DMA,
        ],
    )
    def lookup(table_hbm, idx_hbm, pe_hbm, out_hbm, idx_v, rin_v, rout_v,
               pe_v, g0, g1, i0, i1, s0, s1):
        gsem = (g0, g1)
        isem = (i0, i1)
        ssem = (s0, s1)
        wid = lax.axis_index("s") * NC + lax.axis_index("c")
        gbase = wid * NCHUNK
        obase = wid * (PER_W // 2)

        pltpu.sync_copy(pe_hbm, pe_v)
        pltpu.sync_copy(idx_hbm.at[gbase], idx_v.at[0])
        pltpu.async_copy(idx_hbm.at[gbase + 1], idx_v.at[1], isem[1])
        pltpu.async_copy(table_hbm.at[idx_v.at[0]], rin_v.at[0], gsem[0])

        @pl.loop(0, NCHUNK, step=2)
        def chunks(cc):
            for b in range(2):
                c = cc + b
                pltpu.make_async_copy(
                    table_hbm.at[idx_v.at[b]], rin_v.at[b], gsem[b]).wait()

                @pl.when(c + 2 < NCHUNK)
                def _():
                    pltpu.async_copy(
                        idx_hbm.at[gbase + c + 2], idx_v.at[b], isem[b])

                @pl.when(c + 1 < NCHUNK)
                def _():
                    pltpu.make_async_copy(
                        idx_hbm.at[gbase + c + 1], idx_v.at[1 - b],
                        isem[1 - b]).wait()
                    pltpu.async_copy(
                        table_hbm.at[idx_v.at[1 - b]], rin_v.at[1 - b],
                        gsem[1 - b])

                @pl.when(c >= 2)
                def _():
                    pltpu.make_async_copy(
                        rout_v.at[b],
                        out_hbm.at[pl.ds(obase + (c - 2) * C2, C2)],
                        ssem[b]).wait()

                rin = rin_v.at[b]
                rout = rout_v.at[b]
                pp = lax.rem(c * C2, L // 2)

                @plsc.parallel_loop(0, C2, unroll=2)
                def row(r2):
                    pr = pp + r2
                    for d in range(2 * D // NL):
                        s_ = pl.ds(d * NL, NL)
                        rout[r2, s_] = (
                            rin[2 * r2 + d // (D // NL),
                                pl.ds((d % (D // NL)) * NL, NL)] * scale2
                            + pe_v[pr, s_])

                pltpu.async_copy(rout_v.at[b],
                                 out_hbm.at[pl.ds(obase + c * C2, C2)],
                                 ssem[b])

        for b in range(2):
            c = NCHUNK - 2 + b
            pltpu.make_async_copy(
                rout_v.at[b], out_hbm.at[pl.ds(obase + c * C2, C2)],
                ssem[b]).wait()

    return lookup


def kernel(x, table, pe):
    B, L = x.shape
    V, D = table.shape
    FLAT = B * L
    x_rows = x.reshape(FLAT // 128, 128).astype(jnp.int32)
    pe2 = jnp.tile(pe[:L] * math.sqrt(D), (2, 1)).reshape(L, 2 * D)
    out = _make_sc_lookup(V, D, FLAT, L)(table, x_rows, pe2)
    return out.reshape(B, L, D)

# --- scband reference (transcript-rebuilt; emitter-appended) ---
"""Pipeline reference for scband-embedding-19842748908332 (READ-ONLY COPY).

The authoritative reference and input builder live on the scoring server;
editing this copy changes nothing except your own understanding.
"""

import math
import jax, jax.numpy as jnp
import numpy as np

VOCAB = 1000000
DIM = 64
B = 4096
L = 200
PAD_IDX = 0


def positional_encoding_2(dim, max_len=5000):
    pe = np.zeros((max_len, dim), dtype=np.float32)
    position = np.arange(0, max_len, dtype=np.float32)[:, None]
    div_term = np.exp(np.arange(0, dim, 2, dtype=np.float32) * -(math.log(10000.0) / dim))
    pe[:, 0::2] = np.sin(position * div_term)
    pe[:, 1::2] = np.cos(position * div_term)
    return jnp.asarray(pe)


def setup_inputs(seed: int = 0) -> dict:
    key = jax.random.key(seed)
    k1, k2 = jax.random.split(key)
    x = jax.random.randint(k1, (B, L), 0, VOCAB)
    # embedding table, init normal(0, dim**-0.5), padding row zeroed
    table = jax.random.normal(k2, (VOCAB, DIM), dtype=jnp.float32) * (DIM ** -0.5)
    table = table.at[PAD_IDX].set(0.0)
    pe = positional_encoding_2(DIM)
    return {"x": x, "table": table, "pe": pe}


def reference(x, table, pe):
    # faithful translation of Embedding.forward with timestep=0, dropout p=0 (inference)
    d = table.shape[1]
    L_ = x.shape[1]
    emb = jnp.take(table, x, axis=0) * math.sqrt(d) + pe[0:L_]
    emb = emb * (d ** 0.5)
    return emb

if __name__ == "__main__":
    import jax
    _d = setup_inputs()
    print(jax.jit(kernel)(*tuple(_d.values())))

</pallas_src>

<mosaic_0001>
#map = affine_map<(d0, d1) -> (0, 0)>
module attributes {stable_mosaic.version = 14 : i64} {
  func.func @lookup(%arg0: i32, %arg1: i32, %arg2: memref<1000000x64xf32, #tpu.memory_space<hbm>>, %arg3: memref<6400x128xi32, #tpu.memory_space<hbm>>, %arg4: memref<200x128xf32, #tpu.memory_space<hbm>>, %arg5: memref<409600x128xf32, #tpu.memory_space<hbm>>, %arg6: memref<2x128xi32, #tpu.memory_space<vmem>>, %arg7: memref<2x128x64xf32, #tpu.memory_space<vmem>>, %arg8: memref<2x64x128xf32, #tpu.memory_space<vmem>>, %arg9: memref<200x128xf32, #tpu.memory_space<vmem>>, %arg10: memref<!tpu.dma_semaphore, #tpu.memory_space<semaphore_mem>>, %arg11: memref<!tpu.dma_semaphore, #tpu.memory_space<semaphore_mem>>, %arg12: memref<!tpu.dma_semaphore, #tpu.memory_space<semaphore_mem>>, %arg13: memref<!tpu.dma_semaphore, #tpu.memory_space<semaphore_mem>>, %arg14: memref<!tpu.dma_semaphore, #tpu.memory_space<semaphore_mem>>, %arg15: memref<!tpu.dma_semaphore, #tpu.memory_space<semaphore_mem>>) attributes {dimension_semantics = [#tpu.dimension_semantics<core_parallel>, #tpu.dimension_semantics<subcore_parallel>], iteration_bounds = array<i64: 2, 16>, scalar_prefetch = 0 : i64, scratch_operands = 10 : i64, tpu.core_type = #tpu.core_type<sc_vector_subcore>, window_params = [{transform_indices = #map}, {transform_indices = #map}, {transform_indices = #map}, {transform_indices = #map}]} {
    %mul3A = arith.constant 2 : i32
    %mul3A_0 = arith.muli %arg1, %mul3A : i32
    %add3A = arith.addi %mul3A_0, %arg0 : i32
    %mul3A_1 = arith.constant 200 : i32
    %mul3A_2 = arith.muli %add3A, %mul3A_1 : i32
    %mul3A_3 = arith.constant 12800 : i32
    %mul3A_4 = arith.muli %add3A, %mul3A_3 : i32
    "tpu.region"() ({
      %run_scoped3A_64 = tpu.sem_alloc : memref<!tpu.dma_semaphore, #tpu.memory_space<semaphore_mem>>
      tpu.enqueue_dma source(%arg4 : memref<200x128xf32, #tpu.memory_space<hbm>>) target(%arg9 : memref<200x128xf32, #tpu.memory_space<vmem>>) target_semaphore(%run_scoped3A_64 : memref<!tpu.dma_semaphore, #tpu.memory_space<semaphore_mem>>)
      tpu.wait_dma2 semaphore(%run_scoped3A_64 : memref<!tpu.dma_semaphore, #tpu.memory_space<semaphore_mem>>) src(%arg4 : memref<200x128xf32, #tpu.memory_space<hbm>>) dst(%arg9 : memref<200x128xf32, #tpu.memory_space<vmem>>)
      tpu.yield
    }) : () -> ()
    %run_scoped3A = arith.constant 0 : i32
    "tpu.region"() ({
      %run_scoped3A_64 = tpu.sem_alloc : memref<!tpu.dma_semaphore, #tpu.memory_space<semaphore_mem>>
      %dma_start3A_65 = arith.constant 0 : i32
      %dma_start3A_66 = tpu.memref_slice %arg6[%run_scoped3A, %dma_start3A_65] : memref<2x128xi32, #tpu.memory_space<vmem>> -> memref<1x128xi32, #tpu.memory_space<vmem>>
      %dma_start3A_67 = tpu.memref_squeeze %dma_start3A_66 : memref<1x128xi32, #tpu.memory_space<vmem>> -> memref<128xi32, #tpu.memory_space<vmem>>
      %dma_start3A_68 = arith.constant 0 : i32
      %dma_start3A_69 = tpu.memref_slice %arg3[%mul3A_2, %dma_start3A_68] : memref<6400x128xi32, #tpu.memory_space<hbm>> -> memref<1x128xi32, #tpu.memory_space<hbm>>
      %dma_start3A_70 = tpu.memref_squeeze %dma_start3A_69 : memref<1x128xi32, #tpu.memory_space<hbm>> -> memref<128xi32, #tpu.memory_space<hbm>>
      %dma_start3A_71 = arith.constant 0 : i32
      %dma_start3A_72 = tpu.memref_slice %arg6[%run_scoped3A, %dma_start3A_71] : memref<2x128xi32, #tpu.memory_space<vmem>> -> memref<1x128xi32, #tpu.memory_space<vmem>>
      %dma_start3A_73 = tpu.memref_squeeze %dma_start3A_72 : memref<1x128xi32, #tpu.memory_space<vmem>> -> memref<128xi32, #tpu.memory_space<vmem>>
      %dma_start3A_74 = arith.constant 0 : i32
      %dma_start3A_75 = tpu.memref_slice %arg3[%mul3A_2, %dma_start3A_74] : memref<6400x128xi32, #tpu.memory_space<hbm>> -> memref<1x128xi32, #tpu.memory_space<hbm>>
      %dma_start3A_76 = tpu.memref_squeeze %dma_start3A_75 : memref<1x128xi32, #tpu.memory_space<hbm>> -> memref<128xi32, #tpu.memory_space<hbm>>
      tpu.enqueue_dma source(%dma_start3A_76 : memref<128xi32, #tpu.memory_space<hbm>>) target(%dma_start3A_73 : memref<128xi32, #tpu.memory_space<vmem>>) target_semaphore(%run_scoped3A_64 : memref<!tpu.dma_semaphore, #tpu.memory_space<semaphore_mem>>)
      %dma_wait3A_77 = arith.constant 0 : i32
      %dma_wait3A_78 = tpu.memref_slice %arg6[%run_scoped3A, %dma_wait3A_77] : memref<2x128xi32, #tpu.memory_space<vmem>> -> memref<1x128xi32, #tpu.memory_space<vmem>>
      %dma_wait3A_79 = tpu.memref_squeeze %dma_wait3A_78 : memref<1x128xi32, #tpu.memory_space<vmem>> -> memref<128xi32, #tpu.memory_space<vmem>>
      %dma_wait3A_80 = arith.constant 0 : i32
      %dma_wait3A_81 = tpu.memref_slice %arg3[%mul3A_2, %dma_wait3A_80] : memref<6400x128xi32, #tpu.memory_space<hbm>> -> memref<1x128xi32, #tpu.memory_space<hbm>>
      %dma_wait3A_82 = tpu.memref_squeeze %dma_wait3A_81 : memref<1x128xi32, #tpu.memory_space<hbm>> -> memref<128xi32, #tpu.memory_space<hbm>>
      %dma_wait3A_83 = arith.constant 0 : i32
      %dma_wait3A_84 = tpu.memref_slice %arg6[%run_scoped3A, %dma_wait3A_83] : memref<2x128xi32, #tpu.memory_space<vmem>> -> memref<1x128xi32, #tpu.memory_space<vmem>>
      %dma_wait3A_85 = tpu.memref_squeeze %dma_wait3A_84 : memref<1x128xi32, #tpu.memory_space<vmem>> -> memref<128xi32, #tpu.memory_space<vmem>>
      %dma_wait3A_86 = arith.constant 0 : i32
      %dma_wait3A_87 = tpu.memref_slice %arg3[%mul3A_2, %dma_wait3A_86] : memref<6400x128xi32, #tpu.memory_space<hbm>> -> memref<1x128xi32, #tpu.memory_space<hbm>>
      %dma_wait3A_88 = tpu.memref_squeeze %dma_wait3A_87 : memref<1x128xi32, #tpu.memory_space<hbm>> -> memref<128xi32, #tpu.memory_space<hbm>>
      tpu.wait_dma2 semaphore(%run_scoped3A_64 : memref<!tpu.dma_semaphore, #tpu.memory_space<semaphore_mem>>) src(%dma_wait3A_88 : memref<128xi32, #tpu.memory_space<hbm>>) dst(%dma_wait3A_85 : memref<128xi32, #tpu.memory_space<vmem>>)
      tpu.yield
    }) : () -> ()
    %add3A_5 = arith.constant 1 : i32
    %add3A_6 = arith.addi %mul3A_2, %add3A_5 : i32
    %dma_start3A = arith.constant 1 : i32
    %dma_start3A_7 = arith.constant 0 : i32
    %dma_start3A_8 = tpu.memref_slice %arg6[%dma_start3A, %dma_start3A_7] : memref<2x128xi32, #tpu.memory_space<vmem>> -> memref<1x128xi32, #tpu.memory_space<vmem>>
    %dma_start3A_9 = tpu.memref_squeeze %dma_start3A_8 : memref<1x128xi32, #tpu.memory_space<vmem>> -> memref<128xi32, #tpu.memory_space<vmem>>
    %dma_start3A_10 = arith.constant 0 : i32
    %dma_start3A_11 = tpu.memref_slice %arg3[%add3A_6, %dma_start3A_10] : memref<6400x128xi32, #tpu.memory_space<hbm>> -> memref<1x128xi32, #tpu.memory_space<hbm>>
    %dma_start3A_12 = tpu.memref_squeeze %dma_start3A_11 : memref<1x128xi32, #tpu.memory_space<hbm>> -> memref<128xi32, #tpu.memory_space<hbm>>
    %dma_start3A_13 = arith.constant 0 : i32
    %dma_start3A_14 = tpu.memref_slice %arg6[%dma_start3A, %dma_start3A_13] : memref<2x128xi32, #tpu.memory_space<vmem>> -> memref<1x128xi32, #tpu.memory_space<vmem>>
    %dma_start3A_15 = tpu.memref_squeeze %dma_start3A_14 : memref<1x128xi32, #tpu.memory_space<vmem>> -> memref<128xi32, #tpu.memory_space<vmem>>
    %dma_start3A_16 = arith.constant 0 : i32
    %dma_start3A_17 = tpu.memref_slice %arg3[%add3A_6, %dma_start3A_16] : memref<6400x128xi32, #tpu.memory_space<hbm>> -> memref<1x128xi32, #tpu.memory_space<hbm>>
    %dma_start3A_18 = tpu.memref_squeeze %dma_start3A_17 : memref<1x128xi32, #tpu.memory_space<hbm>> -> memref<128xi32, #tpu.memory_space<hbm>>
    tpu.enqueue_dma source(%dma_start3A_18 : memref<128xi32, #tpu.memory_space<hbm>>) target(%dma_start3A_15 : memref<128xi32, #tpu.memory_space<vmem>>) target_semaphore(%arg13 : memref<!tpu.dma_semaphore, #tpu.memory_space<semaphore_mem>>)
    %dma_start3A_19 = arith.constant 0 : i32
    %dma_start3A_20 = arith.constant 0 : i32
    %dma_start3A_21 = arith.constant 0 : i32
    %dma_start3A_22 = arith.constant 0 : i32
    %dma_start3A_23 = tpu.memref_slice %arg7[%dma_start3A_20, %dma_start3A_21, %dma_start3A_22] : memref<2x128x64xf32, #tpu.memory_space<vmem>> -> memref<1x128x64xf32, #tpu.memory_space<vmem>>
    %dma_start3A_24 = tpu.memref_squeeze %dma_start3A_23 : memref<1x128x64xf32, #tpu.memory_space<vmem>> -> memref<128x64xf32, #tpu.memory_space<vmem>>
    %dma_start3A_25 = arith.constant 0 : i32
    %dma_start3A_26 = tpu.memref_slice %arg6[%dma_start3A_19, %dma_start3A_25] : memref<2x128xi32, #tpu.memory_space<vmem>> -> memref<1x128xi32, #tpu.memory_space<vmem>>
    %dma_start3A_27 = tpu.memref_squeeze %dma_start3A_26 : memref<1x128xi32, #tpu.memory_space<vmem>> -> memref<128xi32, #tpu.memory_space<vmem>>
    %dma_start3A_28 = arith.constant 0 : i32
    %dma_start3A_29 = arith.constant 0 : i32
    %dma_start3A_30 = tpu.memref_slice %arg2[%dma_start3A_28, %dma_start3A_29] : memref<1000000x64xf32, #tpu.memory_space<hbm>> -> memref<1000000x64xf32, #tpu.memory_space<hbm>>
    tpu.enqueue_indirect_dma source(%dma_start3A_30 : memref<1000000x64xf32, #tpu.memory_space<hbm>>) target(%dma_start3A_24 : memref<128x64xf32, #tpu.memory_space<vmem>>) offsets(%dma_start3A_27 : memref<128xi32, #tpu.memory_space<vmem>>) semaphore(%arg10 : memref<!tpu.dma_semaphore, #tpu.memory_space<semaphore_mem>>)
    %scan3A = arith.constant 0 : i32
    %scan3A_31 = arith.constant 100 : i32
    %scan3A_32 = arith.addi %scan3A, %scan3A_31 : i32
    %scan3A_33 = arith.constant 1 : i32
    scf.for %scan3A_64 = %scan3A to %scan3A_32 step %scan3A_33  : i32 {
      %mul3A_65 = arith.constant 2 : i32
      %mul3A_66 = arith.muli %scan3A_64, %mul3A_65 : i32
      %add3A_67 = arith.constant 0 : i32
      %add3A_68 = arith.addi %add3A_67, %mul3A_66 : i32
      %add3A_69 = arith.constant 0 : i32
      %add3A_70 = arith.addi %add3A_68, %add3A_69 : i32
      %dma_wait3A_71 = arith.constant 0 : i32
      %dma_wait3A_72 = arith.constant 0 : i32
      %dma_wait3A_73 = arith.constant 0 : i32
      %dma_wait3A_74 = arith.constant 0 : i32
      %dma_wait3A_75 = tpu.memref_slice %arg7[%dma_wait3A_72, %dma_wait3A_73, %dma_wait3A_74] : memref<2x128x64xf32, #tpu.memory_space<vmem>> -> memref<1x128x64xf32, #tpu.memory_space<vmem>>
      %dma_wait3A_76 = tpu.memref_squeeze %dma_wait3A_75 : memref<1x128x64xf32, #tpu.memory_space<vmem>> -> memref<128x64xf32, #tpu.memory_space<vmem>>
      %dma_wait3A_77 = arith.constant 0 : i32
      %dma_wait3A_78 = tpu.memref_slice %arg6[%dma_wait3A_71, %dma_wait3A_77] : memref<2x128xi32, #tpu.memory_space<vmem>> -> memref<1x128xi32, #tpu.memory_space<vmem>>
      %dma_wait3A_79 = tpu.memref_squeeze %dma_wait3A_78 : memref<1x128xi32, #tpu.memory_space<vmem>> -> memref<128xi32, #tpu.memory_space<vmem>>
      %dma_wait3A_80 = arith.constant 0 : i32
      %dma_wait3A_81 = arith.constant 0 : i32
      %dma_wait3A_82 = tpu.memref_slice %arg2[%dma_wait3A_80, %dma_wait3A_81] : memref<1000000x64xf32, #tpu.memory_space<hbm>> -> memref<1000000x64xf32, #tpu.memory_space<hbm>>
      tpu.wait_indirect_dma semaphore(%arg10 : memref<!tpu.dma_semaphore, #tpu.memory_space<semaphore_mem>>) src(%dma_wait3A_82 : memref<1000000x64xf32, #tpu.memory_space<hbm>>) dst(%dma_wait3A_76 : memref<128x64xf32, #tpu.memory_space<vmem>>)
      %add3A_83 = arith.constant 2 : i32
      %add3A_84 = arith.addi %add3A_70, %add3A_83 : i32
      %lt3A = arith.constant 200 : i32
      %lt3A_85 = arith.cmpi slt, %add3A_84, %lt3A : i32
      %convert_element_type3A = arith.extui %lt3A_85 : i1 to i32
      %cond3A = arith.constant 0 : i32
      %cond3A_86 = arith.cmpi ne, %convert_element_type3A, %cond3A : i32
      scf.if %cond3A_86 {
        %add3A_179 = arith.addi %mul3A_2, %add3A_70 : i32
        %add3A_180 = arith.constant 2 : i32
        %add3A_181 = arith.addi %add3A_179, %add3A_180 : i32
        %dma_start3A_182 = arith.constant 0 : i32
        %dma_start3A_183 = arith.constant 0 : i32
        %dma_start3A_184 = tpu.memref_slice %arg6[%dma_start3A_182, %dma_start3A_183] : memref<2x128xi32, #tpu.memory_space<vmem>> -> memref<1x128xi32, #tpu.memory_space<vmem>>
        %dma_start3A_185 = tpu.memref_squeeze %dma_start3A_184 : memref<1x128xi32, #tpu.memory_space<vmem>> -> memref<128xi32, #tpu.memory_space<vmem>>
        %dma_start3A_186 = arith.constant 0 : i32
        %dma_start3A_187 = tpu.memref_slice %arg3[%add3A_181, %dma_start3A_186] : memref<6400x128xi32, #tpu.memory_space<hbm>> -> memref<1x128xi32, #tpu.memory_space<hbm>>
        %dma_start3A_188 = tpu.memref_squeeze %dma_start3A_187 : memref<1x128xi32, #tpu.memory_space<hbm>> -> memref<128xi32, #tpu.memory_space<hbm>>
        %dma_start3A_189 = arith.constant 0 : i32
        %dma_start3A_190 = tpu.memref_slice %arg6[%dma_start3A_182, %dma_start3A_189] : memref<2x128xi32, #tpu.memory_space<vmem>> -> memref<1x128xi32, #tpu.memory_space<vmem>>
        %dma_start3A_191 = tpu.memref_squeeze %dma_start3A_190 : memref<1x128xi32, #tpu.memory_space<vmem>> -> memref<128xi32, #tpu.memory_space<vmem>>
        %dma_start3A_192 = arith.constant 0 : i32
        %dma_start3A_193 = tpu.memref_slice %arg3[%add3A_181, %dma_start3A_192] : memref<6400x128xi32, #tpu.memory_space<hbm>> -> memref<1x128xi32, #tpu.memory_space<hbm>>
        %dma_start3A_194 = tpu.memref_squeeze %dma_start3A_193 : memref<1x128xi32, #tpu.memory_space<hbm>> -> memref<128xi32, #tpu.memory_space<hbm>>
        tpu.enqueue_dma source(%dma_start3A_194 : memref<128xi32, #tpu.memory_space<hbm>>) target(%dma_start3A_191 : memref<128xi32, #tpu.memory_space<vmem>>) target_semaphore(%arg12 : memref<!tpu.dma_semaphore, #tpu.memory_space<semaphore_mem>>)
      } else {
      }
      %add3A_87 = arith.constant 1 : i32
      %add3A_88 = arith.addi %add3A_70, %add3A_87 : i32
      %lt3A_89 = arith.constant 200 : i32
      %lt3A_90 = arith.cmpi slt, %add3A_88, %lt3A_89 : i32
      %convert_element_type3A_91 = arith.extui %lt3A_90 : i1 to i32
      %cond3A_92 = arith.constant 0 : i32
      %cond3A_93 = arith.cmpi ne, %convert_element_type3A_91, %cond3A_92 : i32
      scf.if %cond3A_93 {
        %add3A_179 = arith.addi %mul3A_2, %add3A_70 : i32
        %add3A_180 = arith.constant 1 : i32
        %add3A_181 = arith.addi %add3A_179, %add3A_180 : i32
        %dma_wait3A_182 = arith.constant 1 : i32
        %dma_wait3A_183 = arith.constant 0 : i32
        %dma_wait3A_184 = tpu.memref_slice %arg6[%dma_wait3A_182, %dma_wait3A_183] : memref<2x128xi32, #tpu.memory_space<vmem>> -> memref<1x128xi32, #tpu.memory_space<vmem>>
        %dma_wait3A_185 = tpu.memref_squeeze %dma_wait3A_184 : memref<1x128xi32, #tpu.memory_space<vmem>> -> memref<128xi32, #tpu.memory_space<vmem>>
        %dma_wait3A_186 = arith.constant 0 : i32
        %dma_wait3A_187 = tpu.memref_slice %arg3[%add3A_181, %dma_wait3A_186] : memref<6400x128xi32, #tpu.memory_space<hbm>> -> memref<1x128xi32, #tpu.memory_space<hbm>>
        %dma_wait3A_188 = tpu.memref_squeeze %dma_wait3A_187 : memref<1x128xi32, #tpu.memory_space<hbm>> -> memref<128xi32, #tpu.memory_space<hbm>>
        %dma_wait3A_189 = arith.constant 0 : i32
        %dma_wait3A_190 = tpu.memref_slice %arg6[%dma_wait3A_182, %dma_wait3A_189] : memref<2x128xi32, #tpu.memory_space<vmem>> -> memref<1x128xi32, #tpu.memory_space<vmem>>
        %dma_wait3A_191 = tpu.memref_squeeze %dma_wait3A_190 : memref<1x128xi32, #tpu.memory_space<vmem>> -> memref<128xi32, #tpu.memory_space<vmem>>
        %dma_wait3A_192 = arith.constant 0 : i32
        %dma_wait3A_193 = tpu.memref_slice %arg3[%add3A_181, %dma_wait3A_192] : memref<6400x128xi32, #tpu.memory_space<hbm>> -> memref<1x128xi32, #tpu.memory_space<hbm>>
        %dma_wait3A_194 = tpu.memref_squeeze %dma_wait3A_193 : memref<1x128xi32, #tpu.memory_space<hbm>> -> memref<128xi32, #tpu.memory_space<hbm>>
        tpu.wait_dma2 semaphore(%arg13 : memref<!tpu.dma_semaphore, #tpu.memory_space<semaphore_mem>>) src(%dma_wait3A_194 : memref<128xi32, #tpu.memory_space<hbm>>) dst(%dma_wait3A_191 : memref<128xi32, #tpu.memory_space<vmem>>)
        %dma_start3A_195 = arith.constant 1 : i32
        %dma_start3A_196 = arith.constant 1 : i32
        %dma_start3A_197 = arith.constant 0 : i32
        %dma_start3A_198 = arith.constant 0 : i32
        %dma_start3A_199 = tpu.memref_slice %arg7[%dma_start3A_196, %dma_start3A_197, %dma_start3A_198] : memref<2x128x64xf32, #tpu.memory_space<vmem>> -> memref<1x128x64xf32, #tpu.memory_space<vmem>>
        %dma_start3A_200 = tpu.memref_squeeze %dma_start3A_199 : memref<1x128x64xf32, #tpu.memory_space<vmem>> -> memref<128x64xf32, #tpu.memory_space<vmem>>
        %dma_start3A_201 = arith.constant 0 : i32
        %dma_start3A_202 = tpu.memref_slice %arg6[%dma_start3A_195, %dma_start3A_201] : memref<2x128xi32, #tpu.memory_space<vmem>> -> memref<1x128xi32, #tpu.memory_space<vmem>>
        %dma_start3A_203 = tpu.memref_squeeze %dma_start3A_202 : memref<1x128xi32, #tpu.memory_space<vmem>> -> memref<128xi32, #tpu.memory_space<vmem>>
        %dma_start3A_204 = arith.constant 0 : i32
        %dma_start3A_205 = arith.constant 0 : i32
        %dma_start3A_206 = tpu.memref_slice %arg2[%dma_start3A_204, %dma_start3A_205] : memref<1000000x64xf32, #tpu.memory_space<hbm>> -> memref<1000000x64xf32, #tpu.memory_space<hbm>>
        tpu.enqueue_indirect_dma source(%dma_start3A_206 : memref<1000000x64xf32, #tpu.memory_space<hbm>>) target(%dma_start3A_200 : memref<128x64xf32, #tpu.memory_space<vmem>>) offsets(%dma_start3A_203 : memref<128xi32, #tpu.memory_space<vmem>>) semaphore(%arg11 : memref<!tpu.dma_semaphore, #tpu.memory_space<semaphore_mem>>)
      } else {
      }
      %ge3A = arith.constant 2 : i32
      %ge3A_94 = arith.cmpi sge, %add3A_70, %ge3A : i32
      %convert_element_type3A_95 = arith.extui %ge3A_94 : i1 to i32
      %cond3A_96 = arith.constant 0 : i32
      %cond3A_97 = arith.cmpi ne, %convert_element_type3A_95, %cond3A_96 : i32
      scf.if %cond3A_97 {
        %sub3A = arith.constant 2 : i32
        %sub3A_179 = arith.subi %add3A_70, %sub3A : i32
        %mul3A_180 = arith.constant 64 : i32
        %mul3A_181 = arith.muli %sub3A_179, %mul3A_180 : i32
        %add3A_182 = arith.addi %mul3A_4, %mul3A_181 : i32
        %dma_wait3A_183 = arith.constant 0 : i32
        %dma_wait3A_184 = arith.constant 0 : i32
        %dma_wait3A_185 = arith.constant 0 : i32
        %dma_wait3A_186 = tpu.memref_slice %arg8[%dma_wait3A_183, %dma_wait3A_184, %dma_wait3A_185] : memref<2x64x128xf32, #tpu.memory_space<vmem>> -> memref<1x64x128xf32, #tpu.memory_space<vmem>>
        %dma_wait3A_187 = tpu.memref_squeeze %dma_wait3A_186 : memref<1x64x128xf32, #tpu.memory_space<vmem>> -> memref<64x128xf32, #tpu.memory_space<vmem>>
        %dma_wait3A_188 = arith.constant 0 : i32
        %dma_wait3A_189 = tpu.memref_slice %arg5[%add3A_182, %dma_wait3A_188] : memref<409600x128xf32, #tpu.memory_space<hbm>> -> memref<64x128xf32, #tpu.memory_space<hbm>>
        %dma_wait3A_190 = arith.constant 0 : i32
        %dma_wait3A_191 = tpu.memref_slice %arg5[%add3A_182, %dma_wait3A_190] : memref<409600x128xf32, #tpu.memory_space<hbm>> -> memref<64x128xf32, #tpu.memory_space<hbm>>
        %dma_wait3A_192 = arith.constant 0 : i32
        %dma_wait3A_193 = arith.constant 0 : i32
        %dma_wait3A_194 = tpu.memref_slice %arg8[%dma_wait3A_183, %dma_wait3A_192, %dma_wait3A_193] : memref<2x64x128xf32, #tpu.memory_space<vmem>> -> memref<1x64x128xf32, #tpu.memory_space<vmem>>
        %dma_wait3A_195 = tpu.memref_squeeze %dma_wait3A_194 : memref<1x64x128xf32, #tpu.memory_space<vmem>> -> memref<64x128xf32, #tpu.memory_space<vmem>>
        tpu.wait_dma2 semaphore(%arg14 : memref<!tpu.dma_semaphore, #tpu.memory_space<semaphore_mem>>) src(%dma_wait3A_195 : memref<64x128xf32, #tpu.memory_space<vmem>>) dst(%dma_wait3A_191 : memref<64x128xf32, #tpu.memory_space<hbm>>)
      } else {
      }
      %mul3A_98 = arith.constant 64 : i32
      %mul3A_99 = arith.muli %add3A_70, %mul3A_98 : i32
      %rem3A = arith.constant 100 : i32
      %rem3A_100 = arith.remsi %mul3A_99, %rem3A : i32
      %parallel_loop3A = arith.constant 0 : i32
      %parallel_loop3A_101 = arith.constant 64 : i32
      %parallel_loop3A_102 = arith.constant 1 : i32
      %parallel_loop3A_103 = arith.constant 0 : i32
      %parallel_loop3A_104 = arith.constant 0 : i32
      scf.for %parallel_loop3A_179 = %parallel_loop3A to %parallel_loop3A_101 step %parallel_loop3A_102  : i32 {
        %parallel_loop3A_180 = arith.addi %rem3A_100, %parallel_loop3A_179 : i32
        %parallel_loop3A_181 = arith.constant 2 : i32
        %parallel_loop3A_182 = arith.muli %parallel_loop3A_181, %parallel_loop3A_179 : i32
        %parallel_loop3A_183 = arith.constant 0 : i32
        %parallel_loop3A_184 = arith.addi %parallel_loop3A_182, %parallel_loop3A_183 : i32
        %parallel_loop3A_185 = arith.constant 0 : i32
        %parallel_loop3A_186 = arith.constant 0 : i32
        %parallel_loop3A_187 = tpu.memref_slice %arg7[%parallel_loop3A_103, %parallel_loop3A_185, %parallel_loop3A_186] : memref<2x128x64xf32, #tpu.memory_space<vmem>> -> memref<1x128x64xf32, #tpu.memory_space<vmem>>
        %parallel_loop3A_188 = tpu.memref_squeeze %parallel_loop3A_187 : memref<1x128x64xf32, #tpu.memory_space<vmem>> -> memref<128x64xf32, #tpu.memory_space<vmem>>
        %parallel_loop3A_189 = arith.index_cast %parallel_loop3A_184 : i32 to index
        %parallel_loop3A_190 = arith.constant 0 : index
        %parallel_loop3A_191 = tpu.vector_load %parallel_loop3A_188[%parallel_loop3A_189, %parallel_loop3A_190] {strides = array<i32>} : memref<128x64xf32, #tpu.memory_space<vmem>>, vector<1x16xf32>,
        %parallel_loop3A_192 = vector.shape_cast %parallel_loop3A_191 : vector<1x16xf32> to vector<16xf32>
        %parallel_loop3A_193 = arith.constant 6.400000e+01 : f32
        %parallel_loop3A_194 = vector.broadcast %parallel_loop3A_193 : f32 to vector<16xf32>
        %parallel_loop3A_195 = arith.mulf %parallel_loop3A_192, %parallel_loop3A_194 : vector<16xf32>
        %parallel_loop3A_196 = arith.index_cast %parallel_loop3A_180 : i32 to index
        %parallel_loop3A_197 = arith.constant 0 : index
        %parallel_loop3A_198 = tpu.vector_load %arg9[%parallel_loop3A_196, %parallel_loop3A_197] {strides = array<i32>} : memref<200x128xf32, #tpu.memory_space<vmem>>, vector<1x16xf32>,
        %parallel_loop3A_199 = vector.shape_cast %parallel_loop3A_198 : vector<1x16xf32> to vector<16xf32>
        %parallel_loop3A_200 = arith.addf %parallel_loop3A_195, %parallel_loop3A_199 : vector<16xf32>
        %parallel_loop3A_201 = arith.constant 0 : i32
        %parallel_loop3A_202 = arith.constant 0 : i32
        %parallel_loop3A_203 = tpu.memref_slice %arg8[%parallel_loop3A_104, %parallel_loop3A_201, %parallel_loop3A_202] : memref<2x64x128xf32, #tpu.memory_space<vmem>> -> memref<1x64x128xf32, #tpu.memory_space<vmem>>
        %parallel_loop3A_204 = tpu.memref_squeeze %parallel_loop3A_203 : memref<1x64x128xf32, #tpu.memory_space<vmem>> -> memref<64x128xf32, #tpu.memory_space<vmem>>
        %parallel_loop3A_205 = arith.index_cast %parallel_loop3A_179 : i32 to index
        %parallel_loop3A_206 = arith.constant 0 : index
        %parallel_loop3A_207 = tpu.vector_load %parallel_loop3A_204[%parallel_loop3A_205, %parallel_loop3A_206] {strides = array<i32>} : memref<64x128xf32, #tpu.memory_space<vmem>>, vector<1x16xf32>,
        %parallel_loop3A_208 = vector.shape_cast %parallel_loop3A_207 : vector<1x16xf32> to vector<16xf32>
        %parallel_loop3A_209 = vector.shape_cast %parallel_loop3A_200 : vector<16xf32> to vector<1x16xf32>
        tpu.vector_store %parallel_loop3A_204[%parallel_loop3A_205, %parallel_loop3A_206], %parallel_loop3A_209 {strides = array<i32>} : memref<64x128xf32, #tpu.memory_space<vmem>>, vector<1x16xf32>,
        %parallel_loop3A_210 = arith.constant 2 : i32
        %parallel_loop3A_211 = arith.muli %parallel_loop3A_210, %parallel_loop3A_179 : i32
        %parallel_loop3A_212 = arith.constant 0 : i32
        %parallel_loop3A_213 = arith.addi %parallel_loop3A_211, %parallel_loop3A_212 : i32
        %parallel_loop3A_214 = arith.constant 0 : i32
        %parallel_loop3A_215 = arith.constant 0 : i32
        %parallel_loop3A_216 = tpu.memref_slice %arg7[%parallel_loop3A_103, %parallel_loop3A_214, %parallel_loop3A_215] : memref<2x128x64xf32, #tpu.memory_space<vmem>> -> memref<1x128x64xf32, #tpu.memory_space<vmem>>
        %parallel_loop3A_217 = tpu.memref_squeeze %parallel_loop3A_216 : memref<1x128x64xf32, #tpu.memory_space<vmem>> -> memref<128x64xf32, #tpu.memory_space<vmem>>
        %parallel_loop3A_218 = arith.index_cast %parallel_loop3A_213 : i32 to index
        %parallel_loop3A_219 = arith.constant 16 : index
        %parallel_loop3A_220 = tpu.vector_load %parallel_loop3A_217[%parallel_loop3A_218, %parallel_loop3A_219] {strides = array<i32>} : memref<128x64xf32, #tpu.memory_space<vmem>>, vector<1x16xf32>,
        %parallel_loop3A_221 = vector.shape_cast %parallel_loop3A_220 : vector<1x16xf32> to vector<16xf32>
        %parallel_loop3A_222 = arith.constant 6.400000e+01 : f32
        %parallel_loop3A_223 = vector.broadcast %parallel_loop3A_222 : f32 to vector<16xf32>
        %parallel_loop3A_224 = arith.mulf %parallel_loop3A_221, %parallel_loop3A_223 : vector<16xf32>
        %parallel_loop3A_225 = arith.index_cast %parallel_loop3A_180 : i32 to index
        %parallel_loop3A_226 = arith.constant 16 : index
        %parallel_loop3A_227 = tpu.vector_load %arg9[%parallel_loop3A_225, %parallel_loop3A_226] {strides = array<i32>} : memref<200x128xf32, #tpu.memory_space<vmem>>, vector<1x16xf32>,
        %parallel_loop3A_228 = vector.shape_cast %parallel_loop3A_227 : vector<1x16xf32> to vector<16xf32>
        %parallel_loop3A_229 = arith.addf %parallel_loop3A_224, %parallel_loop3A_228 : vector<16xf32>
        %parallel_loop3A_230 = arith.constant 0 : i32
        %parallel_loop3A_231 = arith.constant 0 : i32
        %parallel_loop3A_232 = tpu.memref_slice %arg8[%parallel_loop3A_104, %parallel_loop3A_230, %parallel_loop3A_231] : memref<2x64x128xf32, #tpu.memory_space<vmem>> -> memref<1x64x128xf32, #tpu.memory_space<vmem>>
        %parallel_loop3A_233 = tpu.memref_squeeze %parallel_loop3A_232 : memref<1x64x128xf32, #tpu.memory_space<vmem>> -> memref<64x128xf32, #tpu.memory_space<vmem>>
        %parallel_loop3A_234 = arith.index_cast %parallel_loop3A_179 : i32 to index
        %parallel_loop3A_235 = arith.constant 16 : index
        %parallel_loop3A_236 = tpu.vector_load %parallel_loop3A_233[%parallel_loop3A_234, %parallel_loop3A_235] {strides = array<i32>} : memref<64x128xf32, #tpu.memory_space<vmem>>, vector<1x16xf32>,
        %parallel_loop3A_237 = vector.shape_cast %parallel_loop3A_236 : vector<1x16xf32> to vector<16xf32>
        %parallel_loop3A_238 = vector.shape_cast %parallel_loop3A_229 : vector<16xf32> to vector<1x16xf32>
        tpu.vector_store %parallel_loop3A_233[%parallel_loop3A_234, %parallel_loop3A_235], %parallel_loop3A_238 {strides = array<i32>} : memref<64x128xf32, #tpu.memory_space<vmem>>, vector<1x16xf32>,
        %parallel_loop3A_239 = arith.constant 2 : i32
        %parallel_loop3A_240 = arith.muli %parallel_loop3A_239, %parallel_loop3A_179 : i32
        %parallel_loop3A_241 = arith.constant 0 : i32
        %parallel_loop3A_242 = arith.addi %parallel_loop3A_240, %parallel_loop3A_241 : i32
        %parallel_loop3A_243 = arith.constant 0 : i32
        %parallel_loop3A_244 = arith.constant 0 : i32
        %parallel_loop3A_245 = tpu.memref_slice %arg7[%parallel_loop3A_103, %parallel_loop3A_243, %parallel_loop3A_244] : memref<2x128x64xf32, #tpu.memory_space<vmem>> -> memref<1x128x64xf32, #tpu.memory_space<vmem>>
        %parallel_loop3A_246 = tpu.memref_squeeze %parallel_loop3A_245 : memref<1x128x64xf32, #tpu.memory_space<vmem>> -> memref<128x64xf32, #tpu.memory_space<vmem>>
        %parallel_loop3A_247 = arith.index_cast %parallel_loop3A_242 : i32 to index
        %parallel_loop3A_248 = arith.constant 32 : index
        %parallel_loop3A_249 = tpu.vector_load %parallel_loop3A_246[%parallel_loop3A_247, %parallel_loop3A_248] {strides = array<i32>} : memref<128x64xf32, #tpu.memory_space<vmem>>, vector<1x16xf32>,
        %parallel_loop3A_250 = vector.shape_cast %parallel_loop3A_249 : vector<1x16xf32> to vector<16xf32>
        %parallel_loop3A_251 = arith.constant 6.400000e+01 : f32
        %parallel_loop3A_252 = vector.broadcast %parallel_loop3A_251 : f32 to vector<16xf32>
        %parallel_loop3A_253 = arith.mulf %parallel_loop3A_250, %parallel_loop3A_252 : vector<16xf32>
        %parallel_loop3A_254 = arith.index_cast %parallel_loop3A_180 : i32 to index
        %parallel_loop3A_255 = arith.constant 32 : index
        %parallel_loop3A_256 = tpu.vector_load %arg9[%parallel_loop3A_254, %parallel_loop3A_255] {strides = array<i32>} : memref<200x128xf32, #tpu.memory_space<vmem>>, vector<1x16xf32>,
        %parallel_loop3A_257 = vector.shape_cast %parallel_loop3A_256 : vector<1x16xf32> to vector<16xf32>
        %parallel_loop3A_258 = arith.addf %parallel_loop3A_253, %parallel_loop3A_257 : vector<16xf32>
        %parallel_loop3A_259 = arith.constant 0 : i32
        %parallel_loop3A_260 = arith.constant 0 : i32
        %parallel_loop3A_261 = tpu.memref_slice %arg8[%parallel_loop3A_104, %parallel_loop3A_259, %parallel_loop3A_260] : memref<2x64x128xf32, #tpu.memory_space<vmem>> -> memref<1x64x128xf32, #tpu.memory_space<vmem>>
        %parallel_loop3A_262 = tpu.memref_squeeze %parallel_loop3A_261 : memref<1x64x128xf32, #tpu.memory_space<vmem>> -> memref<64x128xf32, #tpu.memory_space<vmem>>
        %parallel_loop3A_263 = arith.index_cast %parallel_loop3A_179 : i32 to index
        %parallel_loop3A_264 = arith.constant 32 : index
        %parallel_loop3A_265 = tpu.vector_load %parallel_loop3A_262[%parallel_loop3A_263, %parallel_loop3A_264] {strides = array<i32>} : memref<64x128xf32, #tpu.memory_space<vmem>>, vector<1x16xf32>,
        %parallel_loop3A_266 = vector.shape_cast %parallel_loop3A_265 : vector<1x16xf32> to vector<16xf32>
        %parallel_loop3A_267 = vector.shape_cast %parallel_loop3A_258 : vector<16xf32> to vector<1x16xf32>
        tpu.vector_store %parallel_loop3A_262[%parallel_loop3A_263, %parallel_loop3A_264], %parallel_loop3A_267 {strides = array<i32>} : memref<64x128xf32, #tpu.memory_space<vmem>>, vector<1x16xf32>,
        %parallel_loop3A_268 = arith.constant 2 : i32
        %parallel_loop3A_269 = arith.muli %parallel_loop3A_268, %parallel_loop3A_179 : i32
        %parallel_loop3A_270 = arith.constant 0 : i32
        %parallel_loop3A_271 = arith.addi %parallel_loop3A_269, %parallel_loop3A_270 : i32
        %parallel_loop3A_272 = arith.constant 0 : i32
        %parallel_loop3A_273 = arith.constant 0 : i32
        %parallel_loop3A_274 = tpu.memref_slice %arg7[%parallel_loop3A_103, %parallel_loop3A_272, %parallel_loop3A_273] : memref<2x128x64xf32, #tpu.memory_space<vmem>> -> memref<1x128x64xf32, #tpu.memory_space<vmem>>
        %parallel_loop3A_275 = tpu.memref_squeeze %parallel_loop3A_274 : memref<1x128x64xf32, #tpu.memory_space<vmem>> -> memref<128x64xf32, #tpu.memory_space<vmem>>
        %parallel_loop3A_276 = arith.index_cast %parallel_loop3A_271 : i32 to index
        %parallel_loop3A_277 = arith.constant 48 : index
        %parallel_loop3A_278 = tpu.vector_load %parallel_loop3A_275[%parallel_loop3A_276, %parallel_loop3A_277] {strides = array<i32>} : memref<128x64xf32, #tpu.memory_space<vmem>>, vector<1x16xf32>,
        %parallel_loop3A_279 = vector.shape_cast %parallel_loop3A_278 : vector<1x16xf32> to vector<16xf32>
        %parallel_loop3A_280 = arith.constant 6.400000e+01 : f32
        %parallel_loop3A_281 = vector.broadcast %parallel_loop3A_280 : f32 to vector<16xf32>
        %parallel_loop3A_282 = arith.mulf %parallel_loop3A_279, %parallel_loop3A_281 : vector<16xf32>
        %parallel_loop3A_283 = arith.index_cast %parallel_loop3A_180 : i32 to index
        %parallel_loop3A_284 = arith.constant 48 : index
        %parallel_loop3A_285 = tpu.vector_load %arg9[%parallel_loop3A_283, %parallel_loop3A_284] {strides = array<i32>} : memref<200x128xf32, #tpu.memory_space<vmem>>, vector<1x16xf32>,
        %parallel_loop3A_286 = vector.shape_cast %parallel_loop3A_285 : vector<1x16xf32> to vector<16xf32>
        %parallel_loop3A_287 = arith.addf %parallel_loop3A_282, %parallel_loop3A_286 : vector<16xf32>
        %parallel_loop3A_288 = arith.constant 0 : i32
        %parallel_loop3A_289 = arith.constant 0 : i32
        %parallel_loop3A_290 = tpu.memref_slice %arg8[%parallel_loop3A_104, %parallel_loop3A_288, %parallel_loop3A_289] : memref<2x64x128xf32, #tpu.memory_space<vmem>> -> memref<1x64x128xf32, #tpu.memory_space<vmem>>
        %parallel_loop3A_291 = tpu.memref_squeeze %parallel_loop3A_290 : memref<1x64x128xf32, #tpu.memory_space<vmem>> -> memref<64x128xf32, #tpu.memory_space<vmem>>
        %parallel_loop3A_292 = arith.index_cast %parallel_loop3A_179 : i32 to index
        %parallel_loop3A_293 = arith.constant 48 : index
        %parallel_loop3A_294 = tpu.vector_load %parallel_loop3A_291[%parallel_loop3A_292, %parallel_loop3A_293] {strides = array<i32>} : memref<64x128xf32, #tpu.memory_space<vmem>>, vector<1x16xf32>,
        %parallel_loop3A_295 = vector.shape_cast %parallel_loop3A_294 : vector<1x16xf32> to vector<16xf32>
        %parallel_loop3A_296 = vector.shape_cast %parallel_loop3A_287 : vector<16xf32> to vector<1x16xf32>
        tpu.vector_store %parallel_loop3A_291[%parallel_loop3A_292, %parallel_loop3A_293], %parallel_loop3A_296 {strides = array<i32>} : memref<64x128xf32, #tpu.memory_space<vmem>>, vector<1x16xf32>,
        %parallel_loop3A_297 = arith.constant 2 : i32
        %parallel_loop3A_298 = arith.muli %parallel_loop3A_297, %parallel_loop3A_179 : i32
        %parallel_loop3A_299 = arith.constant 1 : i32
        %parallel_loop3A_300 = arith.addi %parallel_loop3A_298, %parallel_loop3A_299 : i32
        %parallel_loop3A_301 = arith.constant 0 : i32
        %parallel_loop3A_302 = arith.constant 0 : i32
        %parallel_loop3A_303 = tpu.memref_slice %arg7[%parallel_loop3A_103, %parallel_loop3A_301, %parallel_loop3A_302] : memref<2x128x64xf32, #tpu.memory_space<vmem>> -> memref<1x128x64xf32, #tpu.memory_space<vmem>>
        %parallel_loop3A_304 = tpu.memref_squeeze %parallel_loop3A_303 : memref<1x128x64xf32, #tpu.memory_space<vmem>> -> memref<128x64xf32, #tpu.memory_space<vmem>>
        %parallel_loop3A_305 = arith.index_cast %parallel_loop3A_300 : i32 to index
        %parallel_loop3A_306 = arith.constant 0 : index
        %parallel_loop3A_307 = tpu.vector_load %parallel_loop3A_304[%parallel_loop3A_305, %parallel_loop3A_306] {strides = array<i32>} : memref<128x64xf32, #tpu.memory_space<vmem>>, vector<1x16xf32>,
        %parallel_loop3A_308 = vector.shape_cast %parallel_loop3A_307 : vector<1x16xf32> to vector<16xf32>
        %parallel_loop3A_309 = arith.constant 6.400000e+01 : f32
        %parallel_loop3A_310 = vector.broadcast %parallel_loop3A_309 : f32 to vector<16xf32>
        %parallel_loop3A_311 = arith.mulf %parallel_loop3A_308, %parallel_loop3A_310 : vector<16xf32>
        %parallel_loop3A_312 = arith.index_cast %parallel_loop3A_180 : i32 to index
        %parallel_loop3A_313 = arith.constant 64 : index
        %parallel_loop3A_314 = tpu.vector_load %arg9[%parallel_loop3A_312, %parallel_loop3A_313] {strides = array<i32>} : memref<200x128xf32, #tpu.memory_space<vmem>>, vector<1x16xf32>,
        %parallel_loop3A_315 = vector.shape_cast %parallel_loop3A_314 : vector<1x16xf32> to vector<16xf32>
        %parallel_loop3A_316 = arith.addf %parallel_loop3A_311, %parallel_loop3A_315 : vector<16xf32>
        %parallel_loop3A_317 = arith.constant 0 : i32
        %parallel_loop3A_318 = arith.constant 0 : i32
        %parallel_loop3A_319 = tpu.memref_slice %arg8[%parallel_loop3A_104, %parallel_loop3A_317, %parallel_loop3A_318] : memref<2x64x128xf32, #tpu.memory_space<vmem>> -> memref<1x64x128xf32, #tpu.memory_space<vmem>>
        %parallel_loop3A_320 = tpu.memref_squeeze %parallel_loop3A_319 : memref<1x64x128xf32, #tpu.memory_space<vmem>> -> memref<64x128xf32, #tpu.memory_space<vmem>>
        %parallel_loop3A_321 = arith.index_cast %parallel_loop3A_179 : i32 to index
        %parallel_loop3A_322 = arith.constant 64 : index
        %parallel_loop3A_323 = tpu.vector_load %parallel_loop3A_320[%parallel_loop3A_321, %parallel_loop3A_322] {strides = array<i32>} : memref<64x128xf32, #tpu.memory_space<vmem>>, vector<1x16xf32>,
        %parallel_loop3A_324 = vector.shape_cast %parallel_loop3A_323 : vector<1x16xf32> to vector<16xf32>
        %parallel_loop3A_325 = vector.shape_cast %parallel_loop3A_316 : vector<16xf32> to vector<1x16xf32>
        tpu.vector_store %parallel_loop3A_320[%parallel_loop3A_321, %parallel_loop3A_322], %parallel_loop3A_325 {strides = array<i32>} : memref<64x128xf32, #tpu.memory_space<vmem>>, vector<1x16xf32>,
        %parallel_loop3A_326 = arith.constant 2 : i32
        %parallel_loop3A_327 = arith.muli %parallel_loop3A_326, %parallel_loop3A_179 : i32
        %parallel_loop3A_328 = arith.constant 1 : i32
        %parallel_loop3A_329 = arith.addi %parallel_loop3A_327, %parallel_loop3A_328 : i32
        %parallel_loop3A_330 = arith.constant 0 : i32
        %parallel_loop3A_331 = arith.constant 0 : i32
        %parallel_loop3A_332 = tpu.memref_slice %arg7[%parallel_loop3A_103, %parallel_loop3A_330, %parallel_loop3A_331] : memref<2x128x64xf32, #tpu.memory_space<vmem>> -> memref<1x128x64xf32, #tpu.memory_space<vmem>>
        %parallel_loop3A_333 = tpu.memref_squeeze %parallel_loop3A_332 : memref<1x128x64xf32, #tpu.memory_space<vmem>> -> memref<128x64xf32, #tpu.memory_space<vmem>>
        %parallel_loop3A_334 = arith.index_cast %parallel_loop3A_329 : i32 to index
        %parallel_loop3A_335 = arith.constant 16 : index
        %parallel_loop3A_336 = tpu.vector_load %parallel_loop3A_333[%parallel_loop3A_334, %parallel_loop3A_335] {strides = array<i32>} : memref<128x64xf32, #tpu.memory_space<vmem>>, vector<1x16xf32>,
        %parallel_loop3A_337 = vector.shape_cast %parallel_loop3A_336 : vector<1x16xf32> to vector<16xf32>
        %parallel_loop3A_338 = arith.constant 6.400000e+01 : f32
        %parallel_loop3A_339 = vector.broadcast %parallel_loop3A_338 : f32 to vector<16xf32>
        %parallel_loop3A_340 = arith.mulf %parallel_loop3A_337, %parallel_loop3A_339 : vector<16xf32>
        %parallel_loop3A_341 = arith.index_cast %parallel_loop3A_180 : i32 to index
        %parallel_loop3A_342 = arith.constant 80 : index
        %parallel_loop3A_343 = tpu.vector_load %arg9[%parallel_loop3A_341, %parallel_loop3A_342] {strides = array<i32>} : memref<200x128xf32, #tpu.memory_space<vmem>>, vector<1x16xf32>,
        %parallel_loop3A_344 = vector.shape_cast %parallel_loop3A_343 : vector<1x16xf32> to vector<16xf32>
        %parallel_loop3A_345 = arith.addf %parallel_loop3A_340, %parallel_loop3A_344 : vector<16xf32>
        %parallel_loop3A_346 = arith.constant 0 : i32
        %parallel_loop3A_347 = arith.constant 0 : i32
        %parallel_loop3A_348 = tpu.memref_slice %arg8[%parallel_loop3A_104, %parallel_loop3A_346, %parallel_loop3A_347] : memref<2x64x128xf32, #tpu.memory_space<vmem>> -> memref<1x64x128xf32, #tpu.memory_space<vmem>>
        %parallel_loop3A_349 = tpu.memref_squeeze %parallel_loop3A_348 : memref<1x64x128xf32, #tpu.memory_space<vmem>> -> memref<64x128xf32, #tpu.memory_space<vmem>>
        %parallel_loop3A_350 = arith.index_cast %parallel_loop3A_179 : i32 to index
        %parallel_loop3A_351 = arith.constant 80 : index
        %parallel_loop3A_352 = tpu.vector_load %parallel_loop3A_349[%parallel_loop3A_350, %parallel_loop3A_351] {strides = array<i32>} : memref<64x128xf32, #tpu.memory_space<vmem>>, vector<1x16xf32>,
        %parallel_loop3A_353 = vector.shape_cast %parallel_loop3A_352 : vector<1x16xf32> to vector<16xf32>
        %parallel_loop3A_354 = vector.shape_cast %parallel_loop3A_345 : vector<16xf32> to vector<1x16xf32>
        tpu.vector_store %parallel_loop3A_349[%parallel_loop3A_350, %parallel_loop3A_351], %parallel_loop3A_354 {strides = array<i32>} : memref<64x128xf32, #tpu.memory_space<vmem>>, vector<1x16xf32>,
        %parallel_loop3A_355 = arith.constant 2 : i32
        %parallel_loop3A_356 = arith.muli %parallel_loop3A_355, %parallel_loop3A_179 : i32
        %parallel_loop3A_357 = arith.constant 1 : i32
        %parallel_loop3A_358 = arith.addi %parallel_loop3A_356, %parallel_loop3A_357 : i32
        %parallel_loop3A_359 = arith.constant 0 : i32
        %parallel_loop3A_360 = arith.constant 0 : i32
        %parallel_loop3A_361 = tpu.memref_slice %arg7[%parallel_loop3A_103, %parallel_loop3A_359, %parallel_loop3A_360] : memref<2x128x64xf32, #tpu.memory_space<vmem>> -> memref<1x128x64xf32, #tpu.memory_space<vmem>>
        %parallel_loop3A_362 = tpu.memref_squeeze %parallel_loop3A_361 : memref<1x128x64xf32, #tpu.memory_space<vmem>> -> memref<128x64xf32, #tpu.memory_space<vmem>>
        %parallel_loop3A_363 = arith.index_cast %parallel_loop3A_358 : i32 to index
        %parallel_loop3A_364 = arith.constant 32 : index
        %parallel_loop3A_365 = tpu.vector_load %parallel_loop3A_362[%parallel_loop3A_363, %parallel_loop3A_364] {strides = array<i32>} : memref<128x64xf32, #tpu.memory_space<vmem>>, vector<1x16xf32>,
        %parallel_loop3A_366 = vector.shape_cast %parallel_loop3A_365 : vector<1x16xf32> to vector<16xf32>
        %parallel_loop3A_367 = arith.constant 6.400000e+01 : f32
        %parallel_loop3A_368 = vector.broadcast %parallel_loop3A_367 : f32 to vector<16xf32>
        %parallel_loop3A_369 = arith.mulf %parallel_loop3A_366, %parallel_loop3A_368 : vector<16xf32>
        %parallel_loop3A_370 = arith.index_cast %parallel_loop3A_180 : i32 to index
        %parallel_loop3A_371 = arith.constant 96 : index
        %parallel_loop3A_372 = tpu.vector_load %arg9[%parallel_loop3A_370, %parallel_loop3A_371] {strides = array<i32>} : memref<200x128xf32, #tpu.memory_space<vmem>>, vector<1x16xf32>,
        %parallel_loop3A_373 = vector.shape_cast %parallel_loop3A_372 : vector<1x16xf32> to vector<16xf32>
        %parallel_loop3A_374 = arith.addf %parallel_loop3A_369, %parallel_loop3A_373 : vector<16xf32>
        %parallel_loop3A_375 = arith.constant 0 : i32
        %parallel_loop3A_376 = arith.constant 0 : i32
        %parallel_loop3A_377 = tpu.memref_slice %arg8[%parallel_loop3A_104, %parallel_loop3A_375, %parallel_loop3A_376] : memref<2x64x128xf32, #tpu.memory_space<vmem>> -> memref<1x64x128xf32, #tpu.memory_space<vmem>>
        %parallel_loop3A_378 = tpu.memref_squeeze %parallel_loop3A_377 : memref<1x64x128xf32, #tpu.memory_space<vmem>> -> memref<64x128xf32, #tpu.memory_space<vmem>>
        %parallel_loop3A_379 = arith.index_cast %parallel_loop3A_179 : i32 to index
        %parallel_loop3A_380 = arith.constant 96 : index
        %parallel_loop3A_381 = tpu.vector_load %parallel_loop3A_378[%parallel_loop3A_379, %parallel_loop3A_380] {strides = array<i32>} : memref<64x128xf32, #tpu.memory_space<vmem>>, vector<1x16xf32>,
        %parallel_loop3A_382 = vector.shape_cast %parallel_loop3A_381 : vector<1x16xf32> to vector<16xf32>
        %parallel_loop3A_383 = vector.shape_cast %parallel_loop3A_374 : vector<16xf32> to vector<1x16xf32>
        tpu.vector_store %parallel_loop3A_378[%parallel_loop3A_379, %parallel_loop3A_380], %parallel_loop3A_383 {strides = array<i32>} : memref<64x128xf32, #tpu.memory_space<vmem>>, vector<1x16xf32>,
        %parallel_loop3A_384 = arith.constant 2 : i32
        %parallel_loop3A_385 = arith.muli %parallel_loop3A_384, %parallel_loop3A_179 : i32
        %parallel_loop3A_386 = arith.constant 1 : i32
        %parallel_loop3A_387 = arith.addi %parallel_loop3A_385, %parallel_loop3A_386 : i32
        %parallel_loop3A_388 = arith.constant 0 : i32
        %parallel_loop3A_389 = arith.constant 0 : i32
        %parallel_loop3A_390 = tpu.memref_slice %arg7[%parallel_loop3A_103, %parallel_loop3A_388, %parallel_loop3A_389] : memref<2x128x64xf32, #tpu.memory_space<vmem>> -> memref<1x128x64xf32, #tpu.memory_space<vmem>>
        %parallel_loop3A_391 = tpu.memref_squeeze %parallel_loop3A_390 : memref<1x128x64xf32, #tpu.memory_space<vmem>> -> memref<128x64xf32, #tpu.memory_space<vmem>>
        %parallel_loop3A_392 = arith.index_cast %parallel_loop3A_387 : i32 to index
        %parallel_loop3A_393 = arith.constant 48 : index
        %parallel_loop3A_394 = tpu.vector_load %parallel_loop3A_391[%parallel_loop3A_392, %parallel_loop3A_393] {strides = array<i32>} : memref<128x64xf32, #tpu.memory_space<vmem>>, vector<1x16xf32>,
        %parallel_loop3A_395 = vector.shape_cast %parallel_loop3A_394 : vector<1x16xf32> to vector<16xf32>
        %parallel_loop3A_396 = arith.constant 6.400000e+01 : f32
        %parallel_loop3A_397 = vector.broadcast %parallel_loop3A_396 : f32 to vector<16xf32>
        %parallel_loop3A_398 = arith.mulf %parallel_loop3A_395, %parallel_loop3A_397 : vector<16xf32>
        %parallel_loop3A_399 = arith.index_cast %parallel_loop3A_180 : i32 to index
        %parallel_loop3A_400 = arith.constant 112 : index
        %parallel_loop3A_401 = tpu.vector_load %arg9[%parallel_loop3A_399, %parallel_loop3A_400] {strides = array<i32>} : memref<200x128xf32, #tpu.memory_space<vmem>>, vector<1x16xf32>,
        %parallel_loop3A_402 = vector.shape_cast %parallel_loop3A_401 : vector<1x16xf32> to vector<16xf32>
        %parallel_loop3A_403 = arith.addf %parallel_loop3A_398, %parallel_loop3A_402 : vector<16xf32>
        %parallel_loop3A_404 = arith.constant 0 : i32
        %parallel_loop3A_405 = arith.constant 0 : i32
        %parallel_loop3A_406 = tpu.memref_slice %arg8[%parallel_loop3A_104, %parallel_loop3A_404, %parallel_loop3A_405] : memref<2x64x128xf32, #tpu.memory_space<vmem>> -> memref<1x64x128xf32, #tpu.memory_space<vmem>>
        %parallel_loop3A_407 = tpu.memref_squeeze %parallel_loop3A_406 : memref<1x64x128xf32, #tpu.memory_space<vmem>> -> memref<64x128xf32, #tpu.memory_space<vmem>>
        %parallel_loop3A_408 = arith.index_cast %parallel_loop3A_179 : i32 to index
        %parallel_loop3A_409 = arith.constant 112 : index
        %parallel_loop3A_410 = tpu.vector_load %parallel_loop3A_407[%parallel_loop3A_408, %parallel_loop3A_409] {strides = array<i32>} : memref<64x128xf32, #tpu.memory_space<vmem>>, vector<1x16xf32>,
        %parallel_loop3A_411 = vector.shape_cast %parallel_loop3A_410 : vector<1x16xf32> to vector<16xf32>
        %parallel_loop3A_412 = vector.shape_cast %parallel_loop3A_403 : vector<16xf32> to vector<1x16xf32>
        tpu.vector_store %parallel_loop3A_407[%parallel_loop3A_408, %parallel_loop3A_409], %parallel_loop3A_412 {strides = array<i32>} : memref<64x128xf32, #tpu.memory_space<vmem>>, vector<1x16xf32>,
      } {sc.loop_unroll_factor = 2 : i64, sc.parallel_access}
      %mul3A_105 = arith.constant 64 : i32
      %mul3A_106 = arith.muli %add3A_70, %mul3A_105 : i32
      %add3A_107 = arith.addi %mul3A_4, %mul3A_106 : i32
      %dma_start3A_108 = arith.constant 0 : i32
      %dma_start3A_109 = arith.constant 0 : i32
      %dma_start3A_110 = arith.constant 0 : i32
      %dma_start3A_111 = tpu.memref_slice %arg8[%dma_start3A_108, %dma_start3A_109, %dma_start3A_110] : memref<2x64x128xf32, #tpu.memory_space<vmem>> -> memref<1x64x128xf32, #tpu.memory_space<vmem>>
      %dma_start3A_112 = tpu.memref_squeeze %dma_start3A_111 : memref<1x64x128xf32, #tpu.memory_space<vmem>> -> memref<64x128xf32, #tpu.memory_space<vmem>>
      %dma_start3A_113 = arith.constant 0 : i32
      %dma_start3A_114 = tpu.memref_slice %arg5[%add3A_107, %dma_start3A_113] : memref<409600x128xf32, #tpu.memory_space<hbm>> -> memref<64x128xf32, #tpu.memory_space<hbm>>
      %dma_start3A_115 = arith.constant 0 : i32
      %dma_start3A_116 = tpu.memref_slice %arg5[%add3A_107, %dma_start3A_115] : memref<409600x128xf32, #tpu.memory_space<hbm>> -> memref<64x128xf32, #tpu.memory_space<hbm>>
      %dma_start3A_117 = arith.constant 0 : i32
      %dma_start3A_118 = arith.constant 0 : i32
      %dma_start3A_119 = tpu.memref_slice %arg8[%dma_start3A_108, %dma_start3A_117, %dma_start3A_118] : memref<2x64x128xf32, #tpu.memory_space<vmem>> -> memref<1x64x128xf32, #tpu.memory_space<vmem>>
      %dma_start3A_120 = tpu.memref_squeeze %dma_start3A_119 : memref<1x64x128xf32, #tpu.memory_space<vmem>> -> memref<64x128xf32, #tpu.memory_space<vmem>>
      tpu.enqueue_dma source(%dma_start3A_120 : memref<64x128xf32, #tpu.memory_space<vmem>>) target(%dma_start3A_116 : memref<64x128xf32, #tpu.memory_space<hbm>>) target_semaphore(%arg14 : memref<!tpu.dma_semaphore, #tpu.memory_space<semaphore_mem>>)
      %add3A_121 = arith.constant 1 : i32
      %add3A_122 = arith.addi %add3A_68, %add3A_121 : i32
      %dma_wait3A_123 = arith.constant 1 : i32
      %dma_wait3A_124 = arith.constant 1 : i32
      %dma_wait3A_125 = arith.constant 0 : i32
      %dma_wait3A_126 = arith.constant 0 : i32
      %dma_wait3A_127 = tpu.memref_slice %arg7[%dma_wait3A_124, %dma_wait3A_125, %dma_wait3A_126] : memref<2x128x64xf32, #tpu.memory_space<vmem>> -> memref<1x128x64xf32, #tpu.memory_space<vmem>>
      %dma_wait3A_128 = tpu.memref_squeeze %dma_wait3A_127 : memref<1x128x64xf32, #tpu.memory_space<vmem>> -> memref<128x64xf32, #tpu.memory_space<vmem>>
      %dma_wait3A_129 = arith.constant 0 : i32
      %dma_wait3A_130 = tpu.memref_slice %arg6[%dma_wait3A_123, %dma_wait3A_129] : memref<2x128xi32, #tpu.memory_space<vmem>> -> memref<1x128xi32, #tpu.memory_space<vmem>>
      %dma_wait3A_131 = tpu.memref_squeeze %dma_wait3A_130 : memref<1x128xi32, #tpu.memory_space<vmem>> -> memref<128xi32, #tpu.memory_space<vmem>>
      %dma_wait3A_132 = arith.constant 0 : i32
      %dma_wait3A_133 = arith.constant 0 : i32
      %dma_wait3A_134 = tpu.memref_slice %arg2[%dma_wait3A_132, %dma_wait3A_133] : memref<1000000x64xf32, #tpu.memory_space<hbm>> -> memref<1000000x64xf32, #tpu.memory_space<hbm>>
      tpu.wait_indirect_dma semaphore(%arg11 : memref<!tpu.dma_semaphore, #tpu.memory_space<semaphore_mem>>) src(%dma_wait3A_134 : memref<1000000x64xf32, #tpu.memory_space<hbm>>) dst(%dma_wait3A_128 : memref<128x64xf32, #tpu.memory_space<vmem>>)
      %add3A_135 = arith.constant 2 : i32
      %add3A_136 = arith.addi %add3A_122, %add3A_135 : i32
      %lt3A_137 = arith.constant 200 : i32
      %lt3A_138 = arith.cmpi slt, %add3A_136, %lt3A_137 : i32
      %convert_element_type3A_139 = arith.extui %lt3A_138 : i1 to i32
      %cond3A_140 = arith.constant 0 : i32
      %cond3A_141 = arith.cmpi ne, %convert_element_type3A_139, %cond3A_140 : i32
      scf.if %cond3A_141 {
        %add3A_179 = arith.addi %mul3A_2, %add3A_122 : i32
        %add3A_180 = arith.constant 2 : i32
        %add3A_181 = arith.addi %add3A_179, %add3A_180 : i32
        %dma_start3A_182 = arith.constant 1 : i32
        %dma_start3A_183 = arith.constant 0 : i32
        %dma_start3A_184 = tpu.memref_slice %arg6[%dma_start3A_182, %dma_start3A_183] : memref<2x128xi32, #tpu.memory_space<vmem>> -> memref<1x128xi32, #tpu.memory_space<vmem>>
        %dma_start3A_185 = tpu.memref_squeeze %dma_start3A_184 : memref<1x128xi32, #tpu.memory_space<vmem>> -> memref<128xi32, #tpu.memory_space<vmem>>
        %dma_start3A_186 = arith.constant 0 : i32
        %dma_start3A_187 = tpu.memref_slice %arg3[%add3A_181, %dma_start3A_186] : memref<6400x128xi32, #tpu.memory_space<hbm>> -> memref<1x128xi32, #tpu.memory_space<hbm>>
        %dma_start3A_188 = tpu.memref_squeeze %dma_start3A_187 : memref<1x128xi32, #tpu.memory_space<hbm>> -> memref<128xi32, #tpu.memory_space<hbm>>
        %dma_start3A_189 = arith.constant 0 : i32
        %dma_start3A_190 = tpu.memref_slice %arg6[%dma_start3A_182, %dma_start3A_189] : memref<2x128xi32, #tpu.memory_space<vmem>> -> memref<1x128xi32, #tpu.memory_space<vmem>>
        %dma_start3A_191 = tpu.memref_squeeze %dma_start3A_190 : memref<1x128xi32, #tpu.memory_space<vmem>> -> memref<128xi32, #tpu.memory_space<vmem>>
        %dma_start3A_192 = arith.constant 0 : i32
        %dma_start3A_193 = tpu.memref_slice %arg3[%add3A_181, %dma_start3A_192] : memref<6400x128xi32, #tpu.memory_space<hbm>> -> memref<1x128xi32, #tpu.memory_space<hbm>>
        %dma_start3A_194 = tpu.memref_squeeze %dma_start3A_193 : memref<1x128xi32, #tpu.memory_space<hbm>> -> memref<128xi32, #tpu.memory_space<hbm>>
        tpu.enqueue_dma source(%dma_start3A_194 : memref<128xi32, #tpu.memory_space<hbm>>) target(%dma_start3A_191 : memref<128xi32, #tpu.memory_space<vmem>>) target_semaphore(%arg13 : memref<!tpu.dma_semaphore, #tpu.memory_space<semaphore_mem>>)
      } else {
      }
      %add3A_142 = arith.constant 1 : i32
      %add3A_143 = arith.addi %add3A_122, %add3A_142 : i32
      %lt3A_144 = arith.constant 200 : i32
      %lt3A_145 = arith.cmpi slt, %add3A_143, %lt3A_144 : i32
      %convert_element_type3A_146 = arith.extui %lt3A_145 : i1 to i32
      %cond3A_147 = arith.constant 0 : i32
      %cond3A_148 = arith.cmpi ne, %convert_element_type3A_146, %cond3A_147 : i32
      scf.if %cond3A_148 {
        %add3A_179 = arith.addi %mul3A_2, %add3A_122 : i32
        %add3A_180 = arith.constant 1 : i32
        %add3A_181 = arith.addi %add3A_179, %add3A_180 : i32
        %dma_wait3A_182 = arith.constant 0 : i32
        %dma_wait3A_183 = arith.constant 0 : i32
        %dma_wait3A_184 = tpu.memref_slice %arg6[%dma_wait3A_182, %dma_wait3A_183] : memref<2x128xi32, #tpu.memory_space<vmem>> -> memref<1x128xi32, #tpu.memory_space<vmem>>
        %dma_wait3A_185 = tpu.memref_squeeze %dma_wait3A_184 : memref<1x128xi32, #tpu.memory_space<vmem>> -> memref<128xi32, #tpu.memory_space<vmem>>
        %dma_wait3A_186 = arith.constant 0 : i32
        %dma_wait3A_187 = tpu.memref_slice %arg3[%add3A_181, %dma_wait3A_186] : memref<6400x128xi32, #tpu.memory_space<hbm>> -> memref<1x128xi32, #tpu.memory_space<hbm>>
        %dma_wait3A_188 = tpu.memref_squeeze %dma_wait3A_187 : memref<1x128xi32, #tpu.memory_space<hbm>> -> memref<128xi32, #tpu.memory_space<hbm>>
        %dma_wait3A_189 = arith.constant 0 : i32
        %dma_wait3A_190 = tpu.memref_slice %arg6[%dma_wait3A_182, %dma_wait3A_189] : memref<2x128xi32, #tpu.memory_space<vmem>> -> memref<1x128xi32, #tpu.memory_space<vmem>>
        %dma_wait3A_191 = tpu.memref_squeeze %dma_wait3A_190 : memref<1x128xi32, #tpu.memory_space<vmem>> -> memref<128xi32, #tpu.memory_space<vmem>>
        %dma_wait3A_192 = arith.constant 0 : i32
        %dma_wait3A_193 = tpu.memref_slice %arg3[%add3A_181, %dma_wait3A_192] : memref<6400x128xi32, #tpu.memory_space<hbm>> -> memref<1x128xi32, #tpu.memory_space<hbm>>
        %dma_wait3A_194 = tpu.memref_squeeze %dma_wait3A_193 : memref<1x128xi32, #tpu.memory_space<hbm>> -> memref<128xi32, #tpu.memory_space<hbm>>
        tpu.wait_dma2 semaphore(%arg12 : memref<!tpu.dma_semaphore, #tpu.memory_space<semaphore_mem>>) src(%dma_wait3A_194 : memref<128xi32, #tpu.memory_space<hbm>>) dst(%dma_wait3A_191 : memref<128xi32, #tpu.memory_space<vmem>>)
        %dma_start3A_195 = arith.constant 0 : i32
        %dma_start3A_196 = arith.constant 0 : i32
        %dma_start3A_197 = arith.constant 0 : i32
        %dma_start3A_198 = arith.constant 0 : i32
        %dma_start3A_199 = tpu.memref_slice %arg7[%dma_start3A_196, %dma_start3A_197, %dma_start3A_198] : memref<2x128x64xf32, #tpu.memory_space<vmem>> -> memref<1x128x64xf32, #tpu.memory_space<vmem>>
        %dma_start3A_200 = tpu.memref_squeeze %dma_start3A_199 : memref<1x128x64xf32, #tpu.memory_space<vmem>> -> memref<128x64xf32, #tpu.memory_space<vmem>>
        %dma_start3A_201 = arith.constant 0 : i32
        %dma_start3A_202 = tpu.memref_slice %arg6[%dma_start3A_195, %dma_start3A_201] : memref<2x128xi32, #tpu.memory_space<vmem>> -> memref<1x128xi32, #tpu.memory_space<vmem>>
        %dma_start3A_203 = tpu.memref_squeeze %dma_start3A_202 : memref<1x128xi32, #tpu.memory_space<vmem>> -> memref<128xi32, #tpu.memory_space<vmem>>
        %dma_start3A_204 = arith.constant 0 : i32
        %dma_start3A_205 = arith.constant 0 : i32
        %dma_start3A_206 = tpu.memref_slice %arg2[%dma_start3A_204, %dma_start3A_205] : memref<1000000x64xf32, #tpu.memory_space<hbm>> -> memref<1000000x64xf32, #tpu.memory_space<hbm>>
        tpu.enqueue_indirect_dma source(%dma_start3A_206 : memref<1000000x64xf32, #tpu.memory_space<hbm>>) target(%dma_start3A_200 : memref<128x64xf32, #tpu.memory_space<vmem>>) offsets(%dma_start3A_203 : memref<128xi32, #tpu.memory_space<vmem>>) semaphore(%arg10 : memref<!tpu.dma_semaphore, #tpu.memory_space<semaphore_mem>>)
      } else {
      }
      %ge3A_149 = arith.constant 2 : i32
      %ge3A_150 = arith.cmpi sge, %add3A_122, %ge3A_149 : i32
      %convert_element_type3A_151 = arith.extui %ge3A_150 : i1 to i32
      %cond3A_152 = arith.constant 0 : i32
      %cond3A_153 = arith.cmpi ne, %convert_element_type3A_151, %cond3A_152 : i32
      scf.if %cond3A_153 {
        %sub3A = arith.constant 2 : i32
        %sub3A_179 = arith.subi %add3A_122, %sub3A : i32
        %mul3A_180 = arith.constant 64 : i32
        %mul3A_181 = arith.muli %sub3A_179, %mul3A_180 : i32
        %add3A_182 = arith.addi %mul3A_4, %mul3A_181 : i32
        %dma_wait3A_183 = arith.constant 1 : i32
        %dma_wait3A_184 = arith.constant 0 : i32
        %dma_wait3A_185 = arith.constant 0 : i32
        %dma_wait3A_186 = tpu.memref_slice %arg8[%dma_wait3A_183, %dma_wait3A_184, %dma_wait3A_185] : memref<2x64x128xf32, #tpu.memory_space<vmem>> -> memref<1x64x128xf32, #tpu.memory_space<vmem>>
        %dma_wait3A_187 = tpu.memref_squeeze %dma_wait3A_186 : memref<1x64x128xf32, #tpu.memory_space<vmem>> -> memref<64x128xf32, #tpu.memory_space<vmem>>
        %dma_wait3A_188 = arith.constant 0 : i32
        %dma_wait3A_189 = tpu.memref_slice %arg5[%add3A_182, %dma_wait3A_188] : memref<409600x128xf32, #tpu.memory_space<hbm>> -> memref<64x128xf32, #tpu.memory_space<hbm>>
        %dma_wait3A_190 = arith.constant 0 : i32
        %dma_wait3A_191 = tpu.memref_slice %arg5[%add3A_182, %dma_wait3A_190] : memref<409600x128xf32, #tpu.memory_space<hbm>> -> memref<64x128xf32, #tpu.memory_space<hbm>>
        %dma_wait3A_192 = arith.constant 0 : i32
        %dma_wait3A_193 = arith.constant 0 : i32
        %dma_wait3A_194 = tpu.memref_slice %arg8[%dma_wait3A_183, %dma_wait3A_192, %dma_wait3A_193] : memref<2x64x128xf32, #tpu.memory_space<vmem>> -> memref<1x64x128xf32, #tpu.memory_space<vmem>>
        %dma_wait3A_195 = tpu.memref_squeeze %dma_wait3A_194 : memref<1x64x128xf32, #tpu.memory_space<vmem>> -> memref<64x128xf32, #tpu.memory_space<vmem>>
        tpu.wait_dma2 semaphore(%arg15 : memref<!tpu.dma_semaphore, #tpu.memory_space<semaphore_mem>>) src(%dma_wait3A_195 : memref<64x128xf32, #tpu.memory_space<vmem>>) dst(%dma_wait3A_191 : memref<64x128xf32, #tpu.memory_space<hbm>>)
      } else {
      }
      %mul3A_154 = arith.constant 64 : i32
      %mul3A_155 = arith.muli %add3A_122, %mul3A_154 : i32
      %rem3A_156 = arith.constant 100 : i32
      %rem3A_157 = arith.remsi %mul3A_155, %rem3A_156 : i32
      %parallel_loop3A_158 = arith.constant 0 : i32
      %parallel_loop3A_159 = arith.constant 64 : i32
      %parallel_loop3A_160 = arith.constant 1 : i32
      %parallel_loop3A_161 = arith.constant 1 : i32
      %parallel_loop3A_162 = arith.constant 1 : i32
      scf.for %parallel_loop3A_179 = %parallel_loop3A_158 to %parallel_loop3A_159 step %parallel_loop3A_160  : i32 {
        %parallel_loop3A_180 = arith.addi %rem3A_157, %parallel_loop3A_179 : i32
        %parallel_loop3A_181 = arith.constant 2 : i32
        %parallel_loop3A_182 = arith.muli %parallel_loop3A_181, %parallel_loop3A_179 : i32
        %parallel_loop3A_183 = arith.constant 0 : i32
        %parallel_loop3A_184 = arith.addi %parallel_loop3A_182, %parallel_loop3A_183 : i32
        %parallel_loop3A_185 = arith.constant 0 : i32
        %parallel_loop3A_186 = arith.constant 0 : i32
        %parallel_loop3A_187 = tpu.memref_slice %arg7[%parallel_loop3A_161, %parallel_loop3A_185, %parallel_loop3A_186] : memref<2x128x64xf32, #tpu.memory_space<vmem>> -> memref<1x128x64xf32, #tpu.memory_space<vmem>>
        %parallel_loop3A_188 = tpu.memref_squeeze %parallel_loop3A_187 : memref<1x128x64xf32, #tpu.memory_space<vmem>> -> memref<128x64xf32, #tpu.memory_space<vmem>>
        %parallel_loop3A_189 = arith.index_cast %parallel_loop3A_184 : i32 to index
        %parallel_loop3A_190 = arith.constant 0 : index
        %parallel_loop3A_191 = tpu.vector_load %parallel_loop3A_188[%parallel_loop3A_189, %parallel_loop3A_190] {strides = array<i32>} : memref<128x64xf32, #tpu.memory_space<vmem>>, vector<1x16xf32>,
        %parallel_loop3A_192 = vector.shape_cast %parallel_loop3A_191 : vector<1x16xf32> to vector<16xf32>
        %parallel_loop3A_193 = arith.constant 6.400000e+01 : f32
        %parallel_loop3A_194 = vector.broadcast %parallel_loop3A_193 : f32 to vector<16xf32>
        %parallel_loop3A_195 = arith.mulf %parallel_loop3A_192, %parallel_loop3A_194 : vector<16xf32>
        %parallel_loop3A_196 = arith.index_cast %parallel_loop3A_180 : i32 to index
        %parallel_loop3A_197 = arith.constant 0 : index
        %parallel_loop3A_198 = tpu.vector_load %arg9[%parallel_loop3A_196, %parallel_loop3A_197] {strides = array<i32>} : memref<200x128xf32, #tpu.memory_space<vmem>>, vector<1x16xf32>,
        %parallel_loop3A_199 = vector.shape_cast %parallel_loop3A_198 : vector<1x16xf32> to vector<16xf32>
        %parallel_loop3A_200 = arith.addf %parallel_loop3A_195, %parallel_loop3A_199 : vector<16xf32>
        %parallel_loop3A_201 = arith.constant 0 : i32
        %parallel_loop3A_202 = arith.constant 0 : i32
        %parallel_loop3A_203 = tpu.memref_slice %arg8[%parallel_loop3A_162, %parallel_loop3A_201, %parallel_loop3A_202] : memref<2x64x128xf32, #tpu.memory_space<vmem>> -> memref<1x64x128xf32, #tpu.memory_space<vmem>>
        %parallel_loop3A_204 = tpu.memref_squeeze %parallel_loop3A_203 : memref<1x64x128xf32, #tpu.memory_space<vmem>> -> memref<64x128xf32, #tpu.memory_space<vmem>>
        %parallel_loop3A_205 = arith.index_cast %parallel_loop3A_179 : i32 to index
        %parallel_loop3A_206 = arith.constant 0 : index
        %parallel_loop3A_207 = tpu.vector_load %parallel_loop3A_204[%parallel_loop3A_205, %parallel_loop3A_206] {strides = array<i32>} : memref<64x128xf32, #tpu.memory_space<vmem>>, vector<1x16xf32>,
        %parallel_loop3A_208 = vector.shape_cast %parallel_loop3A_207 : vector<1x16xf32> to vector<16xf32>
        %parallel_loop3A_209 = vector.shape_cast %parallel_loop3A_200 : vector<16xf32> to vector<1x16xf32>
        tpu.vector_store %parallel_loop3A_204[%parallel_loop3A_205, %parallel_loop3A_206], %parallel_loop3A_209 {strides = array<i32>} : memref<64x128xf32, #tpu.memory_space<vmem>>, vector<1x16xf32>,
        %parallel_loop3A_210 = arith.constant 2 : i32
        %parallel_loop3A_211 = arith.muli %parallel_loop3A_210, %parallel_loop3A_179 : i32
        %parallel_loop3A_212 = arith.constant 0 : i32
        %parallel_loop3A_213 = arith.addi %parallel_loop3A_211, %parallel_loop3A_212 : i32
        %parallel_loop3A_214 = arith.constant 0 : i32
        %parallel_loop3A_215 = arith.constant 0 : i32
        %parallel_loop3A_216 = tpu.memref_slice %arg7[%parallel_loop3A_161, %parallel_loop3A_214, %parallel_loop3A_215] : memref<2x128x64xf32, #tpu.memory_space<vmem>> -> memref<1x128x64xf32, #tpu.memory_space<vmem>>
        %parallel_loop3A_217 = tpu.memref_squeeze %parallel_loop3A_216 : memref<1x128x64xf32, #tpu.memory_space<vmem>> -> memref<128x64xf32, #tpu.memory_space<vmem>>
        %parallel_loop3A_218 = arith.index_cast %parallel_loop3A_213 : i32 to index
        %parallel_loop3A_219 = arith.constant 16 : index
        %parallel_loop3A_220 = tpu.vector_load %parallel_loop3A_217[%parallel_loop3A_218, %parallel_loop3A_219] {strides = array<i32>} : memref<128x64xf32, #tpu.memory_space<vmem>>, vector<1x16xf32>,
        %parallel_loop3A_221 = vector.shape_cast %parallel_loop3A_220 : vector<1x16xf32> to vector<16xf32>
        %parallel_loop3A_222 = arith.constant 6.400000e+01 : f32
        %parallel_loop3A_223 = vector.broadcast %parallel_loop3A_222 : f32 to vector<16xf32>
        %parallel_loop3A_224 = arith.mulf %parallel_loop3A_221, %parallel_loop3A_223 : vector<16xf32>
        %parallel_loop3A_225 = arith.index_cast %parallel_loop3A_180 : i32 to index
        %parallel_loop3A_226 = arith.constant 16 : index
        %parallel_loop3A_227 = tpu.vector_load %arg9[%parallel_loop3A_225, %parallel_loop3A_226] {strides = array<i32>} : memref<200x128xf32, #tpu.memory_space<vmem>>, vector<1x16xf32>,
        %parallel_loop3A_228 = vector.shape_cast %parallel_loop3A_227 : vector<1x16xf32> to vector<16xf32>
        %parallel_loop3A_229 = arith.addf %parallel_loop3A_224, %parallel_loop3A_228 : vector<16xf32>
        %parallel_loop3A_230 = arith.constant 0 : i32
        %parallel_loop3A_231 = arith.constant 0 : i32
        %parallel_loop3A_232 = tpu.memref_slice %arg8[%parallel_loop3A_162, %parallel_loop3A_230, %parallel_loop3A_231] : memref<2x64x128xf32, #tpu.memory_space<vmem>> -> memref<1x64x128xf32, #tpu.memory_space<vmem>>
        %parallel_loop3A_233 = tpu.memref_squeeze %parallel_loop3A_232 : memref<1x64x128xf32, #tpu.memory_space<vmem>> -> memref<64x128xf32, #tpu.memory_space<vmem>>
        %parallel_loop3A_234 = arith.index_cast %parallel_loop3A_179 : i32 to index
        %parallel_loop3A_235 = arith.constant 16 : index
        %parallel_loop3A_236 = tpu.vector_load %parallel_loop3A_233[%parallel_loop3A_234, %parallel_loop3A_235] {strides = array<i32>} : memref<64x128xf32, #tpu.memory_space<vmem>>, vector<1x16xf32>,
        %parallel_loop3A_237 = vector.shape_cast %parallel_loop3A_236 : vector<1x16xf32> to vector<16xf32>
        %parallel_loop3A_238 = vector.shape_cast %parallel_loop3A_229 : vector<16xf32> to vector<1x16xf32>
        tpu.vector_store %parallel_loop3A_233[%parallel_loop3A_234, %parallel_loop3A_235], %parallel_loop3A_238 {strides = array<i32>} : memref<64x128xf32, #tpu.memory_space<vmem>>, vector<1x16xf32>,
        %parallel_loop3A_239 = arith.constant 2 : i32
        %parallel_loop3A_240 = arith.muli %parallel_loop3A_239, %parallel_loop3A_179 : i32
        %parallel_loop3A_241 = arith.constant 0 : i32
        %parallel_loop3A_242 = arith.addi %parallel_loop3A_240, %parallel_loop3A_241 : i32
        %parallel_loop3A_243 = arith.constant 0 : i32
        %parallel_loop3A_244 = arith.constant 0 : i32
        %parallel_loop3A_245 = tpu.memref_slice %arg7[%parallel_loop3A_161, %parallel_loop3A_243, %parallel_loop3A_244] : memref<2x128x64xf32, #tpu.memory_space<vmem>> -> memref<1x128x64xf32, #tpu.memory_space<vmem>>
        %parallel_loop3A_246 = tpu.memref_squeeze %parallel_loop3A_245 : memref<1x128x64xf32, #tpu.memory_space<vmem>> -> memref<128x64xf32, #tpu.memory_space<vmem>>
        %parallel_loop3A_247 = arith.index_cast %parallel_loop3A_242 : i32 to index
        %parallel_loop3A_248 = arith.constant 32 : index
        %parallel_loop3A_249 = tpu.vector_load %parallel_loop3A_246[%parallel_loop3A_247, %parallel_loop3A_248] {strides = array<i32>} : memref<128x64xf32, #tpu.memory_space<vmem>>, vector<1x16xf32>,
        %parallel_loop3A_250 = vector.shape_cast %parallel_loop3A_249 : vector<1x16xf32> to vector<16xf32>
        %parallel_loop3A_251 = arith.constant 6.400000e+01 : f32
        %parallel_loop3A_252 = vector.broadcast %parallel_loop3A_251 : f32 to vector<16xf32>
        %parallel_loop3A_253 = arith.mulf %parallel_loop3A_250, %parallel_loop3A_252 : vector<16xf32>
        %parallel_loop3A_254 = arith.index_cast %parallel_loop3A_180 : i32 to index
        %parallel_loop3A_255 = arith.constant 32 : index
        %parallel_loop3A_256 = tpu.vector_load %arg9[%parallel_loop3A_254, %parallel_loop3A_255] {strides = array<i32>} : memref<200x128xf32, #tpu.memory_space<vmem>>, vector<1x16xf32>,
        %parallel_loop3A_257 = vector.shape_cast %parallel_loop3A_256 : vector<1x16xf32> to vector<16xf32>
        %parallel_loop3A_258 = arith.addf %parallel_loop3A_253, %parallel_loop3A_257 : vector<16xf32>
        %parallel_loop3A_259 = arith.constant 0 : i32
        %parallel_loop3A_260 = arith.constant 0 : i32
        %parallel_loop3A_261 = tpu.memref_slice %arg8[%parallel_loop3A_162, %parallel_loop3A_259, %parallel_loop3A_260] : memref<2x64x128xf32, #tpu.memory_space<vmem>> -> memref<1x64x128xf32, #tpu.memory_space<vmem>>
        %parallel_loop3A_262 = tpu.memref_squeeze %parallel_loop3A_261 : memref<1x64x128xf32, #tpu.memory_space<vmem>> -> memref<64x128xf32, #tpu.memory_space<vmem>>
        %parallel_loop3A_263 = arith.index_cast %parallel_loop3A_179 : i32 to index
        %parallel_loop3A_264 = arith.constant 32 : index
        %parallel_loop3A_265 = tpu.vector_load %parallel_loop3A_262[%parallel_loop3A_263, %parallel_loop3A_264] {strides = array<i32>} : memref<64x128xf32, #tpu.memory_space<vmem>>, vector<1x16xf32>,
        %parallel_loop3A_266 = vector.shape_cast %parallel_loop3A_265 : vector<1x16xf32> to vector<16xf32>
        %parallel_loop3A_267 = vector.shape_cast %parallel_loop3A_258 : vector<16xf32> to vector<1x16xf32>
        tpu.vector_store %parallel_loop3A_262[%parallel_loop3A_263, %parallel_loop3A_264], %parallel_loop3A_267 {strides = array<i32>} : memref<64x128xf32, #tpu.memory_space<vmem>>, vector<1x16xf32>,
        %parallel_loop3A_268 = arith.constant 2 : i32
        %parallel_loop3A_269 = arith.muli %parallel_loop3A_268, %parallel_loop3A_179 : i32
        %parallel_loop3A_270 = arith.constant 0 : i32
        %parallel_loop3A_271 = arith.addi %parallel_loop3A_269, %parallel_loop3A_270 : i32
        %parallel_loop3A_272 = arith.constant 0 : i32
        %parallel_loop3A_273 = arith.constant 0 : i32
        %parallel_loop3A_274 = tpu.memref_slice %arg7[%parallel_loop3A_161, %parallel_loop3A_272, %parallel_loop3A_273] : memref<2x128x64xf32, #tpu.memory_space<vmem>> -> memref<1x128x64xf32, #tpu.memory_space<vmem>>
        %parallel_loop3A_275 = tpu.memref_squeeze %parallel_loop3A_274 : memref<1x128x64xf32, #tpu.memory_space<vmem>> -> memref<128x64xf32, #tpu.memory_space<vmem>>
        %parallel_loop3A_276 = arith.index_cast %parallel_loop3A_271 : i32 to index
        %parallel_loop3A_277 = arith.constant 48 : index
        %parallel_loop3A_278 = tpu.vector_load %parallel_loop3A_275[%parallel_loop3A_276, %parallel_loop3A_277] {strides = array<i32>} : memref<128x64xf32, #tpu.memory_space<vmem>>, vector<1x16xf32>,
        %parallel_loop3A_279 = vector.shape_cast %parallel_loop3A_278 : vector<1x16xf32> to vector<16xf32>
        %parallel_loop3A_280 = arith.constant 6.400000e+01 : f32
        %parallel_loop3A_281 = vector.broadcast %parallel_loop3A_280 : f32 to vector<16xf32>
        %parallel_loop3A_282 = arith.mulf %parallel_loop3A_279, %parallel_loop3A_281 : vector<16xf32>
        %parallel_loop3A_283 = arith.index_cast %parallel_loop3A_180 : i32 to index
        %parallel_loop3A_284 = arith.constant 48 : index
        %parallel_loop3A_285 = tpu.vector_load %arg9[%parallel_loop3A_283, %parallel_loop3A_284] {strides = array<i32>} : memref<200x128xf32, #tpu.memory_space<vmem>>, vector<1x16xf32>,
        %parallel_loop3A_286 = vector.shape_cast %parallel_loop3A_285 : vector<1x16xf32> to vector<16xf32>
        %parallel_loop3A_287 = arith.addf %parallel_loop3A_282, %parallel_loop3A_286 : vector<16xf32>
        %parallel_loop3A_288 = arith.constant 0 : i32
        %parallel_loop3A_289 = arith.constant 0 : i32
        %parallel_loop3A_290 = tpu.memref_slice %arg8[%parallel_loop3A_162, %parallel_loop3A_288, %parallel_loop3A_289] : memref<2x64x128xf32, #tpu.memory_space<vmem>> -> memref<1x64x128xf32, #tpu.memory_space<vmem>>
        %parallel_loop3A_291 = tpu.memref_squeeze %parallel_loop3A_290 : memref<1x64x128xf32, #tpu.memory_space<vmem>> -> memref<64x128xf32, #tpu.memory_space<vmem>>
        %parallel_loop3A_292 = arith.index_cast %parallel_loop3A_179 : i32 to index
        %parallel_loop3A_293 = arith.constant 48 : index
        %parallel_loop3A_294 = tpu.vector_load %parallel_loop3A_291[%parallel_loop3A_292, %parallel_loop3A_293] {strides = array<i32>} : memref<64x128xf32, #tpu.memory_space<vmem>>, vector<1x16xf32>,
        %parallel_loop3A_295 = vector.shape_cast %parallel_loop3A_294 : vector<1x16xf32> to vector<16xf32>
        %parallel_loop3A_296 = vector.shape_cast %parallel_loop3A_287 : vector<16xf32> to vector<1x16xf32>
        tpu.vector_store %parallel_loop3A_291[%parallel_loop3A_292, %parallel_loop3A_293], %parallel_loop3A_296 {strides = array<i32>} : memref<64x128xf32, #tpu.memory_space<vmem>>, vector<1x16xf32>,
        %parallel_loop3A_297 = arith.constant 2 : i32
        %parallel_loop3A_298 = arith.muli %parallel_loop3A_297, %parallel_loop3A_179 : i32
        %parallel_loop3A_299 = arith.constant 1 : i32
        %parallel_loop3A_300 = arith.addi %parallel_loop3A_298, %parallel_loop3A_299 : i32
        %parallel_loop3A_301 = arith.constant 0 : i32
        %parallel_loop3A_302 = arith.constant 0 : i32
        %parallel_loop3A_303 = tpu.memref_slice %arg7[%parallel_loop3A_161, %parallel_loop3A_301, %parallel_loop3A_302] : memref<2x128x64xf32, #tpu.memory_space<vmem>> -> memref<1x128x64xf32, #tpu.memory_space<vmem>>
        %parallel_loop3A_304 = tpu.memref_squeeze %parallel_loop3A_303 : memref<1x128x64xf32, #tpu.memory_space<vmem>> -> memref<128x64xf32, #tpu.memory_space<vmem>>
        %parallel_loop3A_305 = arith.index_cast %parallel_loop3A_300 : i32 to index
        %parallel_loop3A_306 = arith.constant 0 : index
        %parallel_loop3A_307 = tpu.vector_load %parallel_loop3A_304[%parallel_loop3A_305, %parallel_loop3A_306] {strides = array<i32>} : memref<128x64xf32, #tpu.memory_space<vmem>>, vector<1x16xf32>,
        %parallel_loop3A_308 = vector.shape_cast %parallel_loop3A_307 : vector<1x16xf32> to vector<16xf32>
        %parallel_loop3A_309 = arith.constant 6.400000e+01 : f32
        %parallel_loop3A_310 = vector.broadcast %parallel_loop3A_309 : f32 to vector<16xf32>
        %parallel_loop3A_311 = arith.mulf %parallel_loop3A_308, %parallel_loop3A_310 : vector<16xf32>
        %parallel_loop3A_312 = arith.index_cast %parallel_loop3A_180 : i32 to index
        %parallel_loop3A_313 = arith.constant 64 : index
        %parallel_loop3A_314 = tpu.vector_load %arg9[%parallel_loop3A_312, %parallel_loop3A_313] {strides = array<i32>} : memref<200x128xf32, #tpu.memory_space<vmem>>, vector<1x16xf32>,
        %parallel_loop3A_315 = vector.shape_cast %parallel_loop3A_314 : vector<1x16xf32> to vector<16xf32>
        %parallel_loop3A_316 = arith.addf %parallel_loop3A_311, %parallel_loop3A_315 : vector<16xf32>
        %parallel_loop3A_317 = arith.constant 0 : i32
        %parallel_loop3A_318 = arith.constant 0 : i32
        %parallel_loop3A_319 = tpu.memref_slice %arg8[%parallel_loop3A_162, %parallel_loop3A_317, %parallel_loop3A_318] : memref<2x64x128xf32, #tpu.memory_space<vmem>> -> memref<1x64x128xf32, #tpu.memory_space<vmem>>
        %parallel_loop3A_320 = tpu.memref_squeeze %parallel_loop3A_319 : memref<1x64x128xf32, #tpu.memory_space<vmem>> -> memref<64x128xf32, #tpu.memory_space<vmem>>
        %parallel_loop3A_321 = arith.index_cast %parallel_loop3A_179 : i32 to index
        %parallel_loop3A_322 = arith.constant 64 : index
        %parallel_loop3A_323 = tpu.vector_load %parallel_loop3A_320[%parallel_loop3A_321, %parallel_loop3A_322] {strides = array<i32>} : memref<64x128xf32, #tpu.memory_space<vmem>>, vector<1x16xf32>,
        %parallel_loop3A_324 = vector.shape_cast %parallel_loop3A_323 : vector<1x16xf32> to vector<16xf32>
        %parallel_loop3A_325 = vector.shape_cast %parallel_loop3A_316 : vector<16xf32> to vector<1x16xf32>
        tpu.vector_store %parallel_loop3A_320[%parallel_loop3A_321, %parallel_loop3A_322], %parallel_loop3A_325 {strides = array<i32>} : memref<64x128xf32, #tpu.memory_space<vmem>>, vector<1x16xf32>,
        %parallel_loop3A_326 = arith.constant 2 : i32
        %parallel_loop3A_327 = arith.muli %parallel_loop3A_326, %parallel_loop3A_179 : i32
        %parallel_loop3A_328 = arith.constant 1 : i32
        %parallel_loop3A_329 = arith.addi %parallel_loop3A_327, %parallel_loop3A_328 : i32
        %parallel_loop3A_330 = arith.constant 0 : i32
        %parallel_loop3A_331 = arith.constant 0 : i32
        %parallel_loop3A_332 = tpu.memref_slice %arg7[%parallel_loop3A_161, %parallel_loop3A_330, %parallel_loop3A_331] : memref<2x128x64xf32, #tpu.memory_space<vmem>> -> memref<1x128x64xf32, #tpu.memory_space<vmem>>
        %parallel_loop3A_333 = tpu.memref_squeeze %parallel_loop3A_332 : memref<1x128x64xf32, #tpu.memory_space<vmem>> -> memref<128x64xf32, #tpu.memory_space<vmem>>
        %parallel_loop3A_334 = arith.index_cast %parallel_loop3A_329 : i32 to index
        %parallel_loop3A_335 = arith.constant 16 : index
        %parallel_loop3A_336 = tpu.vector_load %parallel_loop3A_333[%parallel_loop3A_334, %parallel_loop3A_335] {strides = array<i32>} : memref<128x64xf32, #tpu.memory_space<vmem>>, vector<1x16xf32>,
        %parallel_loop3A_337 = vector.shape_cast %parallel_loop3A_336 : vector<1x16xf32> to vector<16xf32>
        %parallel_loop3A_338 = arith.constant 6.400000e+01 : f32
        %parallel_loop3A_339 = vector.broadcast %parallel_loop3A_338 : f32 to vector<16xf32>
        %parallel_loop3A_340 = arith.mulf %parallel_loop3A_337, %parallel_loop3A_339 : vector<16xf32>
        %parallel_loop3A_341 = arith.index_cast %parallel_loop3A_180 : i32 to index
        %parallel_loop3A_342 = arith.constant 80 : index
        %parallel_loop3A_343 = tpu.vector_load %arg9[%parallel_loop3A_341, %parallel_loop3A_342] {strides = array<i32>} : memref<200x128xf32, #tpu.memory_space<vmem>>, vector<1x16xf32>,
        %parallel_loop3A_344 = vector.shape_cast %parallel_loop3A_343 : vector<1x16xf32> to vector<16xf32>
        %parallel_loop3A_345 = arith.addf %parallel_loop3A_340, %parallel_loop3A_344 : vector<16xf32>
        %parallel_loop3A_346 = arith.constant 0 : i32
        %parallel_loop3A_347 = arith.constant 0 : i32
        %parallel_loop3A_348 = tpu.memref_slice %arg8[%parallel_loop3A_162, %parallel_loop3A_346, %parallel_loop3A_347] : memref<2x64x128xf32, #tpu.memory_space<vmem>> -> memref<1x64x128xf32, #tpu.memory_space<vmem>>
        %parallel_loop3A_349 = tpu.memref_squeeze %parallel_loop3A_348 : memref<1x64x128xf32, #tpu.memory_space<vmem>> -> memref<64x128xf32, #tpu.memory_space<vmem>>
        %parallel_loop3A_350 = arith.index_cast %parallel_loop3A_179 : i32 to index
        %parallel_loop3A_351 = arith.constant 80 : index
        %parallel_loop3A_352 = tpu.vector_load %parallel_loop3A_349[%parallel_loop3A_350, %parallel_loop3A_351] {strides = array<i32>} : memref<64x128xf32, #tpu.memory_space<vmem>>, vector<1x16xf32>,
        %parallel_loop3A_353 = vector.shape_cast %parallel_loop3A_352 : vector<1x16xf32> to vector<16xf32>
        %parallel_loop3A_354 = vector.shape_cast %parallel_loop3A_345 : vector<16xf32> to vector<1x16xf32>
        tpu.vector_store %parallel_loop3A_349[%parallel_loop3A_350, %parallel_loop3A_351], %parallel_loop3A_354 {strides = array<i32>} : memref<64x128xf32, #tpu.memory_space<vmem>>, vector<1x16xf32>,
        %parallel_loop3A_355 = arith.constant 2 : i32
        %parallel_loop3A_356 = arith.muli %parallel_loop3A_355, %parallel_loop3A_179 : i32
        %parallel_loop3A_357 = arith.constant 1 : i32
        %parallel_loop3A_358 = arith.addi %parallel_loop3A_356, %parallel_loop3A_357 : i32
        %parallel_loop3A_359 = arith.constant 0 : i32
        %parallel_loop3A_360 = arith.constant 0 : i32
        %parallel_loop3A_361 = tpu.memref_slice %arg7[%parallel_loop3A_161, %parallel_loop3A_359, %parallel_loop3A_360] : memref<2x128x64xf32, #tpu.memory_space<vmem>> -> memref<1x128x64xf32, #tpu.memory_space<vmem>>
        %parallel_loop3A_362 = tpu.memref_squeeze %parallel_loop3A_361 : memref<1x128x64xf32, #tpu.memory_space<vmem>> -> memref<128x64xf32, #tpu.memory_space<vmem>>
        %parallel_loop3A_363 = arith.index_cast %parallel_loop3A_358 : i32 to index
        %parallel_loop3A_364 = arith.constant 32 : index
        %parallel_loop3A_365 = tpu.vector_load %parallel_loop3A_362[%parallel_loop3A_363, %parallel_loop3A_364] {strides = array<i32>} : memref<128x64xf32, #tpu.memory_space<vmem>>, vector<1x16xf32>,
        %parallel_loop3A_366 = vector.shape_cast %parallel_loop3A_365 : vector<1x16xf32> to vector<16xf32>
        %parallel_loop3A_367 = arith.constant 6.400000e+01 : f32
        %parallel_loop3A_368 = vector.broadcast %parallel_loop3A_367 : f32 to vector<16xf32>
        %parallel_loop3A_369 = arith.mulf %parallel_loop3A_366, %parallel_loop3A_368 : vector<16xf32>
        %parallel_loop3A_370 = arith.index_cast %parallel_loop3A_180 : i32 to index
        %parallel_loop3A_371 = arith.constant 96 : index
        %parallel_loop3A_372 = tpu.vector_load %arg9[%parallel_loop3A_370, %parallel_loop3A_371] {strides = array<i32>} : memref<200x128xf32, #tpu.memory_space<vmem>>, vector<1x16xf32>,
        %parallel_loop3A_373 = vector.shape_cast %parallel_loop3A_372 : vector<1x16xf32> to vector<16xf32>
        %parallel_loop3A_374 = arith.addf %parallel_loop3A_369, %parallel_loop3A_373 : vector<16xf32>
        %parallel_loop3A_375 = arith.constant 0 : i32
        %parallel_loop3A_376 = arith.constant 0 : i32
        %parallel_loop3A_377 = tpu.memref_slice %arg8[%parallel_loop3A_162, %parallel_loop3A_375, %parallel_loop3A_376] : memref<2x64x128xf32, #tpu.memory_space<vmem>> -> memref<1x64x128xf32, #tpu.memory_space<vmem>>
        %parallel_loop3A_378 = tpu.memref_squeeze %parallel_loop3A_377 : memref<1x64x128xf32, #tpu.memory_space<vmem>> -> memref<64x128xf32, #tpu.memory_space<vmem>>
        %parallel_loop3A_379 = arith.index_cast %parallel_loop3A_179 : i32 to index
        %parallel_loop3A_380 = arith.constant 96 : index
        %parallel_loop3A_381 = tpu.vector_load %parallel_loop3A_378[%parallel_loop3A_379, %parallel_loop3A_380] {strides = array<i32>} : memref<64x128xf32, #tpu.memory_space<vmem>>, vector<1x16xf32>,
        %parallel_loop3A_382 = vector.shape_cast %parallel_loop3A_381 : vector<1x16xf32> to vector<16xf32>
        %parallel_loop3A_383 = vector.shape_cast %parallel_loop3A_374 : vector<16xf32> to vector<1x16xf32>
        tpu.vector_store %parallel_loop3A_378[%parallel_loop3A_379, %parallel_loop3A_380], %parallel_loop3A_383 {strides = array<i32>} : memref<64x128xf32, #tpu.memory_space<vmem>>, vector<1x16xf32>,
        %parallel_loop3A_384 = arith.constant 2 : i32
        %parallel_loop3A_385 = arith.muli %parallel_loop3A_384, %parallel_loop3A_179 : i32
        %parallel_loop3A_386 = arith.constant 1 : i32
        %parallel_loop3A_387 = arith.addi %parallel_loop3A_385, %parallel_loop3A_386 : i32
        %parallel_loop3A_388 = arith.constant 0 : i32
        %parallel_loop3A_389 = arith.constant 0 : i32
        %parallel_loop3A_390 = tpu.memref_slice %arg7[%parallel_loop3A_161, %parallel_loop3A_388, %parallel_loop3A_389] : memref<2x128x64xf32, #tpu.memory_space<vmem>> -> memref<1x128x64xf32, #tpu.memory_space<vmem>>
        %parallel_loop3A_391 = tpu.memref_squeeze %parallel_loop3A_390 : memref<1x128x64xf32, #tpu.memory_space<vmem>> -> memref<128x64xf32, #tpu.memory_space<vmem>>
        %parallel_loop3A_392 = arith.index_cast %parallel_loop3A_387 : i32 to index
        %parallel_loop3A_393 = arith.constant 48 : index
        %parallel_loop3A_394 = tpu.vector_load %parallel_loop3A_391[%parallel_loop3A_392, %parallel_loop3A_393] {strides = array<i32>} : memref<128x64xf32, #tpu.memory_space<vmem>>, vector<1x16xf32>,
        %parallel_loop3A_395 = vector.shape_cast %parallel_loop3A_394 : vector<1x16xf32> to vector<16xf32>
        %parallel_loop3A_396 = arith.constant 6.400000e+01 : f32
        %parallel_loop3A_397 = vector.broadcast %parallel_loop3A_396 : f32 to vector<16xf32>
        %parallel_loop3A_398 = arith.mulf %parallel_loop3A_395, %parallel_loop3A_397 : vector<16xf32>
        %parallel_loop3A_399 = arith.index_cast %parallel_loop3A_180 : i32 to index
        %parallel_loop3A_400 = arith.constant 112 : index
        %parallel_loop3A_401 = tpu.vector_load %arg9[%parallel_loop3A_399, %parallel_loop3A_400] {strides = array<i32>} : memref<200x128xf32, #tpu.memory_space<vmem>>, vector<1x16xf32>,
        %parallel_loop3A_402 = vector.shape_cast %parallel_loop3A_401 : vector<1x16xf32> to vector<16xf32>
        %parallel_loop3A_403 = arith.addf %parallel_loop3A_398, %parallel_loop3A_402 : vector<16xf32>
        %parallel_loop3A_404 = arith.constant 0 : i32
        %parallel_loop3A_405 = arith.constant 0 : i32
        %parallel_loop3A_406 = tpu.memref_slice %arg8[%parallel_loop3A_162, %parallel_loop3A_404, %parallel_loop3A_405] : memref<2x64x128xf32, #tpu.memory_space<vmem>> -> memref<1x64x128xf32, #tpu.memory_space<vmem>>
        %parallel_loop3A_407 = tpu.memref_squeeze %parallel_loop3A_406 : memref<1x64x128xf32, #tpu.memory_space<vmem>> -> memref<64x128xf32, #tpu.memory_space<vmem>>
        %parallel_loop3A_408 = arith.index_cast %parallel_loop3A_179 : i32 to index
        %parallel_loop3A_409 = arith.constant 112 : index
        %parallel_loop3A_410 = tpu.vector_load %parallel_loop3A_407[%parallel_loop3A_408, %parallel_loop3A_409] {strides = array<i32>} : memref<64x128xf32, #tpu.memory_space<vmem>>, vector<1x16xf32>,
        %parallel_loop3A_411 = vector.shape_cast %parallel_loop3A_410 : vector<1x16xf32> to vector<16xf32>
        %parallel_loop3A_412 = vector.shape_cast %parallel_loop3A_403 : vector<16xf32> to vector<1x16xf32>
        tpu.vector_store %parallel_loop3A_407[%parallel_loop3A_408, %parallel_loop3A_409], %parallel_loop3A_412 {strides = array<i32>} : memref<64x128xf32, #tpu.memory_space<vmem>>, vector<1x16xf32>,
      } {sc.loop_unroll_factor = 2 : i64, sc.parallel_access}
      %mul3A_163 = arith.constant 64 : i32
      %mul3A_164 = arith.muli %add3A_122, %mul3A_163 : i32
      %add3A_165 = arith.addi %mul3A_4, %mul3A_164 : i32
      %dma_start3A_166 = arith.constant 1 : i32
      %dma_start3A_167 = arith.constant 0 : i32
      %dma_start3A_168 = arith.constant 0 : i32
      %dma_start3A_169 = tpu.memref_slice %arg8[%dma_start3A_166, %dma_start3A_167, %dma_start3A_168] : memref<2x64x128xf32, #tpu.memory_space<vmem>> -> memref<1x64x128xf32, #tpu.memory_space<vmem>>
      %dma_start3A_170 = tpu.memref_squeeze %dma_start3A_169 : memref<1x64x128xf32, #tpu.memory_space<vmem>> -> memref<64x128xf32, #tpu.memory_space<vmem>>
      %dma_start3A_171 = arith.constant 0 : i32
      %dma_start3A_172 = tpu.memref_slice %arg5[%add3A_165, %dma_start3A_171] : memref<409600x128xf32, #tpu.memory_space<hbm>> -> memref<64x128xf32, #tpu.memory_space<hbm>>
      %dma_start3A_173 = arith.constant 0 : i32
      %dma_start3A_174 = tpu.memref_slice %arg5[%add3A_165, %dma_start3A_173] : memref<409600x128xf32, #tpu.memory_space<hbm>> -> memref<64x128xf32, #tpu.memory_space<hbm>>
      %dma_start3A_175 = arith.constant 0 : i32
      %dma_start3A_176 = arith.constant 0 : i32
      %dma_start3A_177 = tpu.memref_slice %arg8[%dma_start3A_166, %dma_start3A_175, %dma_start3A_176] : memref<2x64x128xf32, #tpu.memory_space<vmem>> -> memref<1x64x128xf32, #tpu.memory_space<vmem>>
      %dma_start3A_178 = tpu.memref_squeeze %dma_start3A_177 : memref<1x64x128xf32, #tpu.memory_space<vmem>> -> memref<64x128xf32, #tpu.memory_space<vmem>>
      tpu.enqueue_dma source(%dma_start3A_178 : memref<64x128xf32, #tpu.memory_space<vmem>>) target(%dma_start3A_174 : memref<64x128xf32, #tpu.memory_space<hbm>>) target_semaphore(%arg15 : memref<!tpu.dma_semaphore, #tpu.memory_space<semaphore_mem>>)
    }
    %scan3A_34 = arith.constant 100 : i32
    %add3A_35 = arith.constant 12672 : i32
    %add3A_36 = arith.addi %mul3A_4, %add3A_35 : i32
    %dma_wait3A = arith.constant 0 : i32
    %dma_wait3A_37 = arith.constant 0 : i32
    %dma_wait3A_38 = arith.constant 0 : i32
    %dma_wait3A_39 = tpu.memref_slice %arg8[%dma_wait3A, %dma_wait3A_37, %dma_wait3A_38] : memref<2x64x128xf32, #tpu.memory_space<vmem>> -> memref<1x64x128xf32, #tpu.memory_space<vmem>>
    %dma_wait3A_40 = tpu.memref_squeeze %dma_wait3A_39 : memref<1x64x128xf32, #tpu.memory_space<vmem>> -> memref<64x128xf32, #tpu.memory_space<vmem>>
    %dma_wait3A_41 = arith.constant 0 : i32
    %dma_wait3A_42 = tpu.memref_slice %arg5[%add3A_36, %dma_wait3A_41] : memref<409600x128xf32, #tpu.memory_space<hbm>> -> memref<64x128xf32, #tpu.memory_space<hbm>>
    %dma_wait3A_43 = arith.constant 0 : i32
    %dma_wait3A_44 = tpu.memref_slice %arg5[%add3A_36, %dma_wait3A_43] : memref<409600x128xf32, #tpu.memory_space<hbm>> -> memref<64x128xf32, #tpu.memory_space<hbm>>
    %dma_wait3A_45 = arith.constant 0 : i32
    %dma_wait3A_46 = arith.constant 0 : i32
    %dma_wait3A_47 = tpu.memref_slice %arg8[%dma_wait3A, %dma_wait3A_45, %dma_wait3A_46] : memref<2x64x128xf32, #tpu.memory_space<vmem>> -> memref<1x64x128xf32, #tpu.memory_space<vmem>>
    %dma_wait3A_48 = tpu.memref_squeeze %dma_wait3A_47 : memref<1x64x128xf32, #tpu.memory_space<vmem>> -> memref<64x128xf32, #tpu.memory_space<vmem>>
    tpu.wait_dma2 semaphore(%arg14 : memref<!tpu.dma_semaphore, #tpu.memory_space<semaphore_mem>>) src(%dma_wait3A_48 : memref<64x128xf32, #tpu.memory_space<vmem>>) dst(%dma_wait3A_44 : memref<64x128xf32, #tpu.memory_space<hbm>>)
    %add3A_49 = arith.constant 12736 : i32
    %add3A_50 = arith.addi %mul3A_4, %add3A_49 : i32
    %dma_wait3A_51 = arith.constant 1 : i32
    %dma_wait3A_52 = arith.constant 0 : i32
    %dma_wait3A_53 = arith.constant 0 : i32
    %dma_wait3A_54 = tpu.memref_slice %arg8[%dma_wait3A_51, %dma_wait3A_52, %dma_wait3A_53] : memref<2x64x128xf32, #tpu.memory_space<vmem>> -> memref<1x64x128xf32, #tpu.memory_space<vmem>>
    %dma_wait3A_55 = tpu.memref_squeeze %dma_wait3A_54 : memref<1x64x128xf32, #tpu.memory_space<vmem>> -> memref<64x128xf32, #tpu.memory_space<vmem>>
    %dma_wait3A_56 = arith.constant 0 : i32
    %dma_wait3A_57 = tpu.memref_slice %arg5[%add3A_50, %dma_wait3A_56] : memref<409600x128xf32, #tpu.memory_space<hbm>> -> memref<64x128xf32, #tpu.memory_space<hbm>>
    %dma_wait3A_58 = arith.constant 0 : i32
    %dma_wait3A_59 = tpu.memref_slice %arg5[%add3A_50, %dma_wait3A_58] : memref<409600x128xf32, #tpu.memory_space<hbm>> -> memref<64x128xf32, #tpu.memory_space<hbm>>
    %dma_wait3A_60 = arith.constant 0 : i32
    %dma_wait3A_61 = arith.constant 0 : i32
    %dma_wait3A_62 = tpu.memref_slice %arg8[%dma_wait3A_51, %dma_wait3A_60, %dma_wait3A_61] : memref<2x64x128xf32, #tpu.memory_space<vmem>> -> memref<1x64x128xf32, #tpu.memory_space<vmem>>
    %dma_wait3A_63 = tpu.memref_squeeze %dma_wait3A_62 : memref<1x64x128xf32, #tpu.memory_space<vmem>> -> memref<64x128xf32, #tpu.memory_space<vmem>>
    tpu.wait_dma2 semaphore(%arg15 : memref<!tpu.dma_semaphore, #tpu.memory_space<semaphore_mem>>) src(%dma_wait3A_63 : memref<64x128xf32, #tpu.memory_space<vmem>>) dst(%dma_wait3A_59 : memref<64x128xf32, #tpu.memory_space<hbm>>)
    return
  }
}

</mosaic_0001>

<sc_bundles>
// kernel: kernel.3.cloned.1.call-start
scs
__scs_entry_jumppad:
0x0: {  	(pc) =	sbr.rel $0x88, $3  }
0x1: {  	(tag) =	ssettag $0x0;
	lr =	simm.s32 $0x1  }
0x2: {  	[smem:$0x3F9E] =	sst lr;
	_ =	strace $0xD0000000  }
0x3: {  	_ = 	snop  }
0x4: {  	_ = 	snop  }
0x5: {  	_ = 	snop  }
0x6: {  	_ = 	snop  }
0x7: {  	_ = 	snop  }
__scs_overlays_trampoline_lowered:
0x8: {  	[smem:$0x3FAD] =	sst s0  }
0x9: {  	[smem:$0x3FAE] =	sst s1  }
0xa: {  	[smem:$0x3FAF] =	sst s2  }
0xb: {  	[smem:$0x3FB0] =	sst s3  }
0xc: {  	[smem:$0x3FB1] =	sst s4  }
0xd: {  	[smem:$0x3FB2] =	sst s5  }
0xe: {  	[smem:$0x3FB3] =	sst s6  }
0xf: {  	[smem:$0x3FB4] =	sst s7  }
0x10: {  	[smem:$0x3FB5] =	sst s8  }
0x11: {  	[smem:$0x3FB6] =	sst s9;
	s0 =	simm.s32 @!p0 $0x0  }
0x12: {  	s1 =	sld [smem:$0x3F9C];
	s0 =	simm.s32 @p0 $0x1  }
0x13: {  	[smem:$0x3FB7] =	sst s0;
	s0 =	simm.s32 @!p1 $0x0  }
0x14: {  	s2 =	sld [smem:$0x3F9B];
	s0 =	simm.s32 @p1 $0x1  }
0x15: {  	[smem:$0x3FB8] =	sst s0;
	s0 =	simm.s32 @!p2 $0x0  }
0x16: {  	s3 =	sld [smem:$0x3FDB];
	s0 =	simm.s32 @p2 $0x1  }
0x17: {  	s4 =	simm.s32 $0x1BF5;
	[smem:$0x3FBA] =	sst s0  }
0x18: {  	s0 =	sld [smem:$0x3F9D];
	_ =	swait.ge [sflag:s4], $0x0  }
0x19: {  	s7 =	sld [smem:$0x3F9E]  }
0x1a: {  	s8 =	sadd.s32 $0xFFFFE003, lr  }
0x1b: {  	s9 =	sadd.s32 $0xFFFFFEF7, lr;
	s5 =	simm.s32 $0xFFFFFFFF;
	p2 =	slt.u32 s8, $0xFFFFF086  }
0x1c: {  	p1 =	slt.u32 s9, $0xF7A;
	s5 =	simm.s32 @!p2 $0x0  }
0x1d: {  	s5 =	simm.s32 @p1 $0x1;
	p0 =	seq.s32 s7, s2  }
0x1e: {  	s7 =	smul.u32 @!p0 $0xF7A, s2;
	p2 =	seq.s32 @!p0 s5, $0x0  }
0x1f: {  	s9 =	smul.u32 $0xF7A, s1;
	s8 =	simm.s32 @!p0 $0x1BF5;
	p2 =	por !p2, p0  }
0x20: {  	[sflag:s8] =	ssyncset.s32 @!p0 $0xFFFFF086;
	s6 =	sadd.s32 @!p0 s3, s7;
	s7 =	simm.s32 @!p0 $0x108  }
0x21: {  	s3 =	sadd.s32 s3, s9;
	s6 =	sadd.s32 @!p0 $0x88, s6;
	s7 =	simm.s32 @p2 $0x1082  }
0x22: {  	[simem:s7], [sflag:s8] =	dma.local @!p0 [hbm:s6], $0xF7A  }
0x23: {  	s9 =	sor.u32 $0xD0000000, s2;
	s6 =	simm.s32 $0x108;
	_ =	swait.ge @!p0 [sflag:s8], $0x0  }
0x24: {  	s3 =	sadd.s32 $0x88, s3;
	s6 =	simm.s32 @!p1 $0x1082;
	[sflag:s4] =	ssyncset.s32 $0xFFFFF086  }
0x25: {  	[simem:s6], [sflag:s4] =	dma.local [hbm:s3], $0xF7A  }
0x26: {  	[smem:$0x3F9E] =	sst s1;
	(tag) =	ssettag s2;
	_ =	strace s9  }
0x27: {  	s1 =	sld [smem:$0x3FAE]  }
0x28: {  	s2 =	sld [smem:$0x3FAF]  }
0x29: {  	s4 =	sld [smem:$0x3FB1]  }
0x2a: {  	p0 =	seq.s32 s5, $0x0;
	s5 =	sld [smem:$0x3FB2]  }
0x2b: {  	s6 =	sld [smem:$0x3FB3]  }
0x2c: {  	s7 =	sld [smem:$0x3FB4]  }
0x2d: {  	s3 =	simm.s32 $0x108;
	s8 =	sld [smem:$0x3FB5]  }
0x2e: {  	s3 =	simm.s32 @!p0 $0x1082;
	s9 =	sld [smem:$0x3FB6]  }
0x2f: {  	lr =	sadd.s32 s0, s3;
	s0 =	sld [smem:$0x3FAD]  }
0x30: {  	s3 =	sld [smem:$0x3FB0]  }
0x31: {  	[smem:$0x3FB9] =	sst s10  }
0x32: {  	s10 =	sld [smem:$0x3FB7];
	_ =	sdelay $0x3  }
0x33: {  	p0 =	seq.s32 s10, $0x1;
	s10 =	sld [smem:$0x3FB9];
	_ =	sdelay $0x3  }
0x34: {  	[smem:$0x3FB9] =	sst s10  }
0x35: {  	s10 =	sld [smem:$0x3FB8];
	_ =	sdelay $0x3  }
0x36: {  	p1 =	seq.s32 s10, $0x1;
	s10 =	sld [smem:$0x3FB9];
	_ =	sdelay $0x3  }
0x37: {  	[smem:$0x3FB9] =	sst s10  }
0x38: {  	s10 =	sld [smem:$0x3FBA]  }
0x39: {  	_ = 	snop;
	(pc) =	sbr.ind lr, $3  }
0x3a: {  	_ = 	snop  }
0x3b: {  	_ = 	snop  }
0x3c: {  	p2 =	seq.s32 s10, $0x1;
	s10 =	sld [smem:$0x3FB9]  }
0x3d: {  	_ =	shalt  }
0x3e: {  	_ =	shalt  }
0x3f: {  	_ =	shalt  }
0x40: {  	_ =	shalt  }
0x41: {  	_ =	shalt  }
0x42: {  	_ =	shalt  }
0x43: {  	_ =	shalt  }
0x44: {  	_ =	shalt  }
0x45: {  	_ =	shalt  }
0x46: {  	_ =	shalt  }
0x47: {  	_ =	shalt  }
0x48: {  	_ =	shalt  }
0x49: {  	_ =	shalt  }
0x4a: {  	_ =	shalt  }
0x4b: {  	_ =	shalt  }
0x4c: {  	_ =	shalt  }
0x4d: {  	_ =	shalt  }
0x4e: {  	_ =	shalt  }
0x4f: {  	_ =	shalt  }
0x50: {  	_ =	shalt  }
0x51: {  	_ =	shalt  }
0x52: {  	_ =	shalt  }
0x53: {  	_ =	shalt  }
0x54: {  	_ =	shalt  }
0x55: {  	_ =	shalt  }
0x56: {  	_ =	shalt  }
0x57: {  	_ =	shalt  }
0x58: {  	_ =	shalt  }
0x59: {  	_ =	shalt  }
0x5a: {  	_ =	shalt  }
0x5b: {  	_ =	shalt  }
0x5c: {  	_ =	shalt  }
0x5d: {  	_ =	shalt  }
0x5e: {  	_ =	shalt  }
0x5f: {  	_ =	shalt  }
0x60: {  	_ =	shalt  }
0x61: {  	_ =	shalt  }
0x62: {  	_ =	shalt  }
0x63: {  	_ =	shalt  }
0x64: {  	_ =	shalt  }
0x65: {  	_ =	shalt  }
0x66: {  	_ =	shalt  }
0x67: {  	_ =	shalt  }
0x68: {  	_ =	shalt  }
0x69: {  	_ =	shalt  }
0x6a: {  	_ =	shalt  }
0x6b: {  	_ =	shalt  }
0x6c: {  	_ =	shalt  }
0x6d: {  	_ =	shalt  }
0x6e: {  	_ =	shalt  }
0x6f: {  	_ =	shalt  }
0x70: {  	_ =	shalt  }
0x71: {  	_ =	shalt  }
0x72: {  	_ =	shalt  }
0x73: {  	_ =	shalt  }
0x74: {  	_ =	shalt  }
0x75: {  	_ =	shalt  }
0x76: {  	_ =	shalt  }
0x77: {  	_ =	shalt  }
0x78: {  	_ =	shalt  }
0x79: {  	_ =	shalt  }
0x7a: {  	_ =	shalt  }
0x7b: {  	_ =	shalt  }
0x7c: {  	_ =	shalt  }
0x7d: {  	_ =	shalt  }
0x7e: {  	_ =	shalt  }
0x7f: {  	_ =	shalt  }
0x80: {  	_ =	shalt  }
0x81: {  	_ =	shalt  }
0x82: {  	_ =	shalt  }
0x83: {  	_ =	shalt  }
0x84: {  	_ =	shalt  }
0x85: {  	_ =	shalt  }
0x86: {  	_ =	shalt  }
0x87: {  	_ =	shalt  }
.Lfunc_end0:
.L_simem_size_0:
called_computation.1_lowered:
.L_overlay_start_0:
0x88: {  	s2 =	sld [smem:$0x3FD9]  }
0x89: {  	s3 =	sld [smem:$0x3FFE];
	_ =	sdelay $0x1  }
0x8a: {  	s1 =	srdreg.scid  }
0x8b: {  	s0 =	sand.u32 $0x1, s1  }
0x8c: {  	s17 =	sshll.u32 s0, $0xA;
	s2 =	sadd.s32 s3, s2  }
0x8d: {  	s2 =	sadd.s32 s2, s17  }
0x8e: {  	[smem:$0x3FC5] =	sst s2  }
0x8f: {  	_ = 	snop  }
0x90: {  	s2 =	sld [smem:$0x3FD0];
	(tm) =	ssettm $0x1  }
0x91: {  	s18 =	sld [smem:$0x3FFB];
	_ =	sdelay $0x3  }
0x92: {  	_ =	strace s18  }
0x93: {  	s3 =	sld [smem:$0x3FFC];
	_ =	sdelay $0x3  }
0x94: {  	_ =	strace s3  }
0x95: {  	s3 =	sld [smem:$0x3FFD];
	_ =	sdelay $0x3  }
0x96: {  	_ =	strace s3  }
0x97: {  	_ =	strace $0x8FFFFFFF  }
0x98: {  	s19 =	sld [smem:$0x3FDB];
	_ =	sdelay $0x1  }
0x99: {  	s4 =	simm.s32 $_scs_section_size  }
0x9a: {  	s5 =	simm.s32 $_size__tile_overlayer_lowered;
	s6 =	simm.s32 $_tile_overlayer_lowered  }
0x9b: {  	s22 =	simm.s32 $0x1BFF;
	s21 =	sshll.u32 s6, $0x1;
	s3 =	sadd.s32 s4, s19  }
0x9c: {  	s7 =	simm.s32 $0x0;
	s20 =	sshll.u32 s5, $0x1;
	s5 =	sadd.s32 s21, s3  }
0x9d: {  	[timem:s7], [sflag:s22] =	dma.local [hbm:s5], s20  }
0x9e: {  	_ =	swait.ge [sflag:s22], s20  }
0x9f: {  	s4 =	ssub.s32 $0x0, s20;
	[sflag:s22] =	ssyncset.done $0x0  }
0xa0: {  	[sflag:s22] =	ssyncadd.s32 s4;
	_ =	sdelay $0x1  }
0xa1: {  	s23 =	simm.s32 $0x1B8B  }
0xa2: {  	_ =	swait.ge [sflag:s23], $0x1  }
0xa3: {  	[sflag:s23] =	ssyncset.done $0x0  }
0xa4: {  	s25 =	simm.s32 $0x1B8E;
	s24 =	sld [smem:$0x3FFE];
	[sflag:s23] =	ssyncadd.s32 $0xFFFFFFFF  }
0xa5: {  	s26 =	simm.s32 $execute0_lowered;
	[smem:$0x3FD2] =	sst s25  }
0xa6: {  	s5 =	sshll.u32 s26, $0x1;
	_ =	strace $0x80000046;
	[dreg:$0x1] =	wrdreg $0xFFFFFFFF  }
0xa7: {  	s28 =	simm.s32 $_size_execute0_lowered;
	s3 =	sadd.s32 s3, s5;
	[dreg:$0x0] =	wrdreg $0x0  }
0xa8: {  	s5 =	sshll.u32 s28, $0x1;
	[dreg:$0x2] =	wrdreg s3  }
0xa9: {  	[dreg:$0x3] =	wrdreg s5  }
0xaa: {  	[dreg:$0x4] =	wrdreg $0xC0  }
0xab: {  	_ =	task [dreg:s7], $0x5FFFF  }
0xac: {  	[dreg:$0x1] =	wrdreg $0xFFFFFFFF  }
0xad: {  	[dreg:$0x0] =	wrdreg $0x60  }
0xae: {  	[dreg:$0x2] =	wrdreg s24  }
0xaf: {  	[dreg:$0x3] =	wrdreg s2  }
0xb0: {  	[dreg:$0x4] =	wrdreg $0x9  }
0xb1: {  	_ =	task.clear_ibuf [dreg:s7], $0x5FFFF;
	_ =	strace $0x90000046  }
0xb2: {  	s29 =	simm.s32 $0x9;
	_ =	strace $0x80000048  }
0xb3: {  	_ =	swait.ge [sflag:s29], $0x1  }
0xb4: {  	[sflag:s29] =	ssyncadd.s32 $0xFFFFFFFF  }
0xb5: {  	_ =	strace $0x90000048  }
0xb6: {  	_ =	sfence  }
0xb7: {  	s30 =	sld [smem:$0x0];
	_ =	sdelay $0x2  }
0xb8: {  	s31 =	sshll.u32 s1, $0xD;
	s1 =	sshrl.u32 s1, $0x2  }
0xb9: {  	s3 =	sand.u32 $0x4000, s31;
	s1 =	sadd.s32 s1, s30  }
0xba: {  	s0 =	sor.u32 s3, s0;
	s1 =	sshll.u32 s1, $0x11  }
0xbb: {  	s0 =	sor.u32 s1, s0  }
0xbc: {  	s0 =	sadd.s32 $0x8F2B, s0  }
0xbd: {  	[sflag:s0] =	ssyncadd.remote.s32 $0x1  }
0xbe: {  	_ =	sfence.sel $0xFFFF  }
0xbf: {  	[dreg:$0x0] =	wrdreg $0xFFFFFFFF;
	(pc) =	sbr.abs _section_cstart, $3  }
0xc0: {  	[dreg:$0x1] =	wrdreg $0xFFFFFFFF  }
0xc1: {  	_ =	task.clear_ibuf [dreg:s7], $0x2FFFF;
	_ =	strace $0x9FFFFFFF  }
0xc2: {  	(tm) =	ssettm $0x7FFFFFFF  }
0xc3: {  	_ =	shalt  }
tec
execute0_lowered:
.L_overlay_start_1:
0x0: {  	(tag) =	ssettag $0x1  }
0x1: {  	s0 =	rddreg [dreg:$0x0]  }
0x2: {  	s1 =	srdreg.scid;
	s3 =	stileid.u32  }
0x3: {  	s2 =	rddreg [dreg:$0x1];
	s14 =	simm.s32 $0x80;
	s16 =	simm.s32 $0x1  }
0x4: {  	s17 =	simm.s32 $0x4;
	s20 =	simm.s32 $0x2;
	s23 =	simm.s32 $0x6  }
0x5: {  	s1 =	sand.u32 $0x1, s1;
	s4 =	sshll.u32 s3, $0x1;
	s3 =	simm.s32 $0x0  }
0x6: {  	s7 =	sadd.s32 $0x19A00, s0;
	s5 =	sor.u32 s1, s4;
	s1 =	ssub.s32 $0x2, s1  }
0x7: {  	[smem:$0x7FF] =	sst s3;
	s6 =	smul.u32 $0xC80, s5;
	s28 =	sshrl.u32 s1, $0x1  }
0x8: {  	s10 =	sadd.s32 $0xA20, s0;
	_ =	strace $0x80000047;
	s1 =	ssub.s32 s1, s28  }
0x9: {  	[dreg:$0x3] =	wrdreg s7;
	s8 =	sadd.s32 s6, s0;
	s31 =	smax.u32 s1, $0x1  }
0xa: {  	s4 =	sadd.s32 $0xF42E00, s0;
	s29 =	sadd.s32 $0xA00, s8;
	[dreg:$0x6] =	wrdreg s31  }
0xb: {  	s7 =	smul.u32 $0x3200, s5;
	s30 =	sadd.s32 $0xA10, s8;
	[dreg:$0x4] =	wrdreg s29  }
0xc: {  	s6 =	smul.u32 $0xC8, s5;
	s1 =	simm.s32 $0x0;
	[dreg:$0x5] =	wrdreg s30  }
.LBB2_1:
0xd: {  	[dreg:$0x7] =	wrdreg s1  }
0xe: {  	s0 =	rddreg [dreg:$0x3];
	s22 =	simm.s32 $0x8100;
	s24 =	simm.s32 $0x7  }
0xf: {  	[tilespmem:s22], [sflag:$0x7] =	stream.linear.gather [hbm4b:s0+s3], $0x6400, $0x38;
	[tilespmem:$0xE500] =	vst v63  }
0x10: {  	_ =	swait.ge [sflag:s24], $0x6400  }
0x11: {  	[sflag:s24] =	ssyncset.done $0x0  }
0x12: {  	s25 =	rddreg [dreg:$0x4];
	[sflag:s24] =	ssyncadd.s32 $0xFFFF9C00  }
0x13: {  	[tilespmem:s3], [sflag:$0x7] =	stream.linear.gather [hbm4b:s25+s3], $0x80, $0x38;
	[tilespmem:$0xE500] =	vst v63  }
0x14: {  	_ =	swait.ge [sflag:s24], $0x80  }
0x15: {  	s31 =	simm.s32 $0x100;
	s28 =	simm.s32 $0x40;
	[sflag:s24] =	ssyncset.done $0x0  }
0x16: {  	s29 =	simm.s32 $0x0;
	s26 =	rddreg [dreg:$0x5];
	[sflag:s24] =	ssyncadd.s32 $0xFFFFFF80  }
0x17: {  	[tilespmem:s14], [sflag:$0x4] =	stream.linear.gather [hbm4b:s26+s3], $0x80, $0x38;
	[tilespmem:$0xE500] =	vst v63  }
0x18: {  	s30 =	simm.s32 $0x0;
	s25 =	simm.s32 $0x8180;
	s26 =	simm.s32 $0xA1F0  }
0x19: {  	[tilespmem:s31], [sflag:$0x1] =	stream.indirect.gather [hbm4b:s4+s14], $0x40, s3, s14, $0xb8;
	[tilespmem:$0xE500] =	vst v63  }
.LBB2_2:
0x1a: {  	s1 =	sshll.u32 s30, $0x1;
	p0 =	seq.s32 s30, $0x63  }
0x1b: {  	_ =	swait.ge [sflag:s16], $0x2000;
	s0 =	sadd.s32 @!p0 s6, s1  }
0x1c: {  	[sflag:s16] =	ssyncset.done $0x0;
	s0 =	sshll.u32 @!p0 s0, $0x4  }
0x1d: {  	s5 =	simm.s32 @!p0 $0x0;
	[sflag:s16] =	ssyncadd.s32 $0xFFFFE000;
	s0 =	sadd.s32 @!p0 s0, s10  }
0x1e: {  	[tilespmem:s5], [sflag:$0x3] =	stream.linear.gather @!p0 [hbm4b:s0+s5], $0x80, $0x38;
	[tilespmem:$0xE500] =	vst v63  }
0x1f: {  	_ =	swait.ge [sflag:s17], $0x80  }
0x20: {  	s22 =	simm.s32 $0x2100;
	p1 =	seq.s32 s30, $0x0;
	[sflag:s17] =	ssyncset.done $0x0  }
0x21: {  	s24 =	smulhi.u32 $0x51EB851F, s29;
	s5 =	simm.s32 @!p1 $0x5;
	[sflag:s17] =	ssyncadd.s32 $0xFFFFFF80  }
0x22: {  	[tilespmem:s22], [sflag:$0x2] =	stream.indirect.gather [hbm4b:s4+s14], $0x40, s14, s14, $0xb8;
	[tilespmem:$0xE500] =	vst v63  }
0x23: {  	s0 =	sshrl.u32 s24, $0x5;
	_ =	swait.ge @!p1 [sflag:s5], $0x2000  }
0x24: {  	s0 =	smul.u32 $0xFFFF3800, s0;
	[sflag:s5] =	ssyncset.done @!p1 $0x0  }
0x25: {  	s13 =	simm.s32 $0x180;
	[sflag:s5] =	ssyncadd.s32 @!p1 $0xFFFFE000  }
0x26: {  	s0 =	sshra.s32 s0, $0x2;
	v0 =	vld [tilespmem:s13+$0x0]  }
0x27: {  	s12 =	sadd.s32 s0, s25  }
0x28: {  	v1 =	vld [tilespmem:s12+$0x0];
	_ =	sdelay $0x2  }
0x29: {  	v0 =	vmul.f32 $6.400000000e+01, v0;
	_ =	sdelay $0x1  }
0x2a: {  	v2 =	vld [tilespmem:s13+$0xFFFFFF80];
	v0 =	vadd.f32 v1, v0  }
0x2b: {  	s0 =	simm.s32 $0x4180  }
0x2c: {  	v1 =	vld [tilespmem:s12+$0xFFFFFF80];
	[tilespmem:s0+$0x0] =	vst v0  }
0x2d: {  	v0 =	vld [tilespmem:s13+$0x10];
	_ =	sdelay $0x1  }
0x2e: {  	v2 =	vmul.f32 $6.400000000e+01, v2;
	v3 =	vld [tilespmem:s12+$0x10];
	_ =	sdelay $0x1  }
0x2f: {  	v1 =	vadd.f32 v1, v2  }
0x30: {  	v0 =	vmul.f32 $6.400000000e+01, v0  }
0x31: {  	[tilespmem:s0+$0xFFFFFF80] =	vst v1  }
0x32: {  	v1 =	vld [tilespmem:s13+$0xFFFFFF90];
	v0 =	vadd.f32 v3, v0;
	_ =	sdelay $0x1  }
0x33: {  	v2 =	vld [tilespmem:s12+$0xFFFFFF90];
	[tilespmem:s0+$0x10] =	vst v0  }
0x34: {  	v0 =	vld [tilespmem:s13+$0x20];
	_ =	sdelay $0x1  }
0x35: {  	v1 =	vmul.f32 $6.400000000e+01, v1;
	v3 =	vld [tilespmem:s12+$0x20];
	_ =	sdelay $0x1  }
0x36: {  	v1 =	vadd.f32 v2, v1  }
0x37: {  	v0 =	vmul.f32 $6.400000000e+01, v0  }
0x38: {  	[tilespmem:s0+$0xFFFFFF90] =	vst v1  }
0x39: {  	v1 =	vld [tilespmem:s13+$0xFFFFFFA0];
	v0 =	vadd.f32 v3, v0;
	_ =	sdelay $0x1  }
0x3a: {  	v2 =	vld [tilespmem:s12+$0xFFFFFFA0];
	[tilespmem:s0+$0x20] =	vst v0  }
0x3b: {  	s8 =	simm.s32 $0x280;
	v0 =	vld [tilespmem:s13+$0x30]  }
0x3c: {  	v3 =	vld [tilespmem:s8+$0x0]  }
0x3d: {  	s5 =	sadd.s32 $0x100, s12;
	v1 =	vmul.f32 $6.400000000e+01, v1;
	v4 =	vld [tilespmem:s12+$0x30]  }
0x3e: {  	v5 =	vld [tilespmem:s5+$0x0]  }
0x3f: {  	v1 =	vadd.f32 v2, v1  }
0x40: {  	v2 =	vld [tilespmem:s8+$0xFFFFFF80];
	v0 =	vmul.f32 $6.400000000e+01, v0  }
0x41: {  	v3 =	vmul.f32 $6.400000000e+01, v3;
	[tilespmem:s0+$0xFFFFFFA0] =	vst v1;
	v1 =	vld [tilespmem:s5+$0xFFFFFF80]  }
0x42: {  	v6 =	vld [tilespmem:s13+$0xFFFFFFB0];
	v0 =	vadd.f32 v4, v0  }
0x43: {  	v3 =	vadd.f32 v5, v3  }
0x44: {  	s15 =	simm.s32 $0x4280;
	v4 =	vld [tilespmem:s12+$0xFFFFFFB0];
	[tilespmem:s0+$0x30] =	vst v0  }
0x45: {  	[tilespmem:s15+$0x0] =	vst v3;
	v0 =	vmul.f32 $6.400000000e+01, v2;
	v2 =	vld [tilespmem:s13+$0x40]  }
0x46: {  	v3 =	vld [tilespmem:s8+$0x10]  }
0x47: {  	v5 =	vld [tilespmem:s12+$0x40];
	v0 =	vadd.f32 v1, v0;
	v1 =	vmul.f32 $6.400000000e+01, v6  }
0x48: {  	v6 =	vld [tilespmem:s5+$0x10]  }
0x49: {  	[tilespmem:s15+$0xFFFFFF80] =	vst v0;
	v0 =	vadd.f32 v4, v1  }
0x4a: {  	v1 =	vld [tilespmem:s8+$0xFFFFFF90];
	v2 =	vmul.f32 $6.400000000e+01, v2  }
0x4b: {  	v3 =	vmul.f32 $6.400000000e+01, v3;
	[tilespmem:s0+$0xFFFFFFB0] =	vst v0;
	v0 =	vld [tilespmem:s5+$0xFFFFFF90]  }
0x4c: {  	v4 =	vld [tilespmem:s13+$0xFFFFFFC0];
	v2 =	vadd.f32 v5, v2  }
0x4d: {  	v3 =	vadd.f32 v6, v3  }
0x4e: {  	v5 =	vld [tilespmem:s12+$0xFFFFFFC0];
	[tilespmem:s0+$0x40] =	vst v2  }
0x4f: {  	[tilespmem:s15+$0x10] =	vst v3;
	v1 =	vmul.f32 $6.400000000e+01, v1;
	v2 =	vld [tilespmem:s13+$0x50]  }
0x50: {  	v3 =	vld [tilespmem:s8+$0x20]  }
0x51: {  	v0 =	vadd.f32 v0, v1;
	v1 =	vmul.f32 $6.400000000e+01, v4;
	v4 =	vld [tilespmem:s12+$0x50]  }
0x52: {  	v6 =	vld [tilespmem:s5+$0x20]  }
0x53: {  	[tilespmem:s15+$0xFFFFFF90] =	vst v0;
	v0 =	vadd.f32 v5, v1  }
0x54: {  	v1 =	vld [tilespmem:s8+$0xFFFFFFA0];
	v2 =	vmul.f32 $6.400000000e+01, v2  }
0x55: {  	v5 =	vld [tilespmem:s5+$0xFFFFFFA0];
	[tilespmem:s0+$0xFFFFFFC0] =	vst v0;
	v0 =	vmul.f32 $6.400000000e+01, v3  }
0x56: {  	v3 =	vld [tilespmem:s13+$0xFFFFFFD0];
	v2 =	vadd.f32 v4, v2  }
0x57: {  	s9 =	simm.s32 $0x380;
	v4 =	vld [tilespmem:s12+$0xFFFFFFD0];
	v0 =	vadd.f32 v6, v0  }
0x58: {  	v6 =	vld [tilespmem:s9+$0x0];
	[tilespmem:s0+$0x50] =	vst v2  }
0x59: {  	[tilespmem:s15+$0x20] =	vst v0;
	v0 =	vld [tilespmem:s13+$0x60]  }
0x5a: {  	v2 =	vld [tilespmem:s8+$0x30]  }
0x5b: {  	v1 =	vmul.f32 $6.400000000e+01, v1;
	v7 =	vld [tilespmem:s12+$0x60]  }
0x5c: {  	s22 =	sadd.s32 $0x100, s5;
	v8 =	vld [tilespmem:s5+$0x30]  }
0x5d: {  	v1 =	vadd.f32 v5, v1;
	v3 =	vmul.f32 $6.400000000e+01, v3;
	v5 =	vld [tilespmem:s22+$0x0]  }
0x5e: {  	v9 =	vld [tilespmem:s9+$0xFFFFFF80];
	v0 =	vmul.f32 $6.400000000e+01, v0  }
0x5f: {  	[tilespmem:s15+$0xFFFFFFA0] =	vst v1;
	v1 =	vadd.f32 v4, v3;
	v3 =	vld [tilespmem:s22+$0xFFFFFF80];
	v2 =	vmul.f32 $6.400000000e+01, v2  }
0x60: {  	v6 =	vmul.f32 $6.400000000e+01, v6;
	v4 =	vld [tilespmem:s8+$0xFFFFFFB0];
	v0 =	vadd.f32 v7, v0  }
0x61: {  	[tilespmem:s0+$0xFFFFFFD0] =	vst v1;
	v1 =	vld [tilespmem:s5+$0xFFFFFFB0];
	v2 =	vadd.f32 v8, v2  }
0x62: {  	v7 =	vld [tilespmem:s13+$0xFFFFFFE0];
	[tilespmem:s0+$0x60] =	vst v0;
	v0 =	vadd.f32 v5, v6  }
0x63: {  	s24 =	simm.s32 $0x4380;
	v5 =	vmul.f32 $6.400000000e+01, v9;
	[tilespmem:s15+$0x30] =	vst v2;
	v2 =	vld [tilespmem:s13+$0x70]  }
0x64: {  	v6 =	vld [tilespmem:s8+$0x40];
	[tilespmem:s24+$0x0] =	vst v0  }
0x65: {  	v0 =	vadd.f32 v3, v5;
	v3 =	vmul.f32 $6.400000000e+01, v4;
	v4 =	vld [tilespmem:s9+$0x10]  }
0x66: {  	v5 =	vld [tilespmem:s5+$0x40]  }
0x67: {  	[tilespmem:s24+$0xFFFFFF80] =	vst v0;
	v0 =	vadd.f32 v1, v3;
	v1 =	vld [tilespmem:s22+$0x10]  }
0x68: {  	v3 =	vld [tilespmem:s9+$0xFFFFFF90]  }
0x69: {  	[tilespmem:s15+$0xFFFFFFB0] =	vst v0;
	v0 =	vld [tilespmem:s22+$0xFFFFFF90];
	v6 =	vmul.f32 $6.400000000e+01, v6  }
0x6a: {  	v8 =	vld [tilespmem:s8+$0xFFFFFFC0];
	v4 =	vmul.f32 $6.400000000e+01, v4  }
0x6b: {  	v62 =	vld [tilespmem:s12+$0x70];
	v5 =	vadd.f32 v5, v6  }
0x6c: {  	v6 =	vld [tilespmem:s5+$0xFFFFFFC0];
	v1 =	vadd.f32 v1, v4  }
0x6d: {  	v4 =	vld [tilespmem:s12+$0xFFFFFFE0];
	v3 =	vmul.f32 $6.400000000e+01, v3;
	[tilespmem:s15+$0x40] =	vst v5  }
0x6e: {  	[tilespmem:s24+$0x10] =	vst v1;
	v1 =	vld [tilespmem:s8+$0x50]  }
0x6f: {  	s11 =	smulhi.u32 $0x51EB851F, s28;
	v0 =	vadd.f32 v0, v3;
	v3 =	vmul.f32 $6.400000000e+01, v8;
	v10 =	vld [tilespmem:s9+$0x20]  }
0x70: {  	v8 =	vld [tilespmem:s5+$0x50]  }
0x71: {  	s11 =	sshrl.u32 s11, $0x5;
	v7 =	vmul.f32 $6.400000000e+01, v7;
	[tilespmem:s24+$0xFFFFFF90] =	vst v0;
	v0 =	vld [tilespmem:s22+$0x20];
	v6 =	vadd.f32 v6, v3  }
0x72: {  	s11 =	smul.u32 $0xFFFF3800, s11;
	v2 =	vmul.f32 $6.400000000e+01, v2;
	v5 =	vld [tilespmem:s9+$0xFFFFFFA0]  }
0x73: {  	v4 =	vadd.f32 v4, v7;
	v3 =	vld [tilespmem:s22+$0xFFFFFFA0];
	[tilespmem:s15+$0xFFFFFFC0] =	vst v6;
	v7 =	vmul.f32 $6.400000000e+01, v1  }
0x74: {  	s19 =	simm.s32 $0x4;
	s11 =	sshra.s32 s11, $0x2;
	v6 =	vadd.f32 v62, v2;
	v2 =	vld [tilespmem:s8+$0xFFFFFFD0];
	v63 =	vmul.f32 $6.400000000e+01, v10  }
0x75: {  	s21 =	simm.s32 $0x480;
	s1 =	sor.u32 $0x1, s1;
	s31 =	sadd.s32 s11, s26;
	[tilespmem:s0+$0xFFFFFFE0] =	vst v4;
	v1 =	vld [tilespmem:s5+$0xFFFFFFD0];
	v4 =	vadd.f32 v8, v7  }
0x76: {  	s11 =	sshll.u32 s30, $0x7;
	s18 =	smov.u32 s22;
	[tilespmem:s0+$0x70] =	vst v6;
	v6 =	vadd.f32 v0, v63;
	v0 =	vld [tilespmem:s13+$0xFFFFFFF0];
	s13 =	simm.s32 $0x4380  }
.LBB2_3:
0x77: {  	v7 =	vld [tilespmem:s21+$0x0];
	v5 =	vmul.f32 $6.400000000e+01, v5;
	[tilespmem:s15+$0x50] =	vst v4  }
0x78: {  	[tilespmem:s24+$0x20] =	vst v6;
	v4 =	vld [tilespmem:s8+$0x60]  }
0x79: {  	v3 =	vadd.f32 v3, v5;
	v5 =	vld [tilespmem:s9+$0x30];
	v2 =	vmul.f32 $6.400000000e+01, v2  }
0x7a: {  	v6 =	vld [tilespmem:s5+$0x60]  }
0x7b: {  	[tilespmem:s24+$0xFFFFFFA0] =	vst v3;
	v3 =	vld [tilespmem:s22+$0x30];
	v1 =	vadd.f32 v1, v2;
	v0 =	vmul.f32 $6.400000000e+01, v0  }
0x7c: {  	s19 =	sadd.s32 $0x2, s19;
	s22 =	sadd.s32 $0x100, s22;
	v2 =	vld [tilespmem:s21+$0xFFFFFF80]  }
0x7d: {  	p1 =	slt.u32 s19, $0x3E;
	v8 =	vld [tilespmem:s22+$0x0];
	[tilespmem:s15+$0xFFFFFFD0] =	vst v1;
	v1 =	vmul.f32 $6.400000000e+01, v4  }
0x7e: {  	v4 =	vld [tilespmem:s22+$0xFFFFFF80];
	v5 =	vmul.f32 $6.400000000e+01, v5  }
0x7f: {  	v9 =	vld [tilespmem:s9+$0xFFFFFFB0];
	v1 =	vadd.f32 v6, v1  }
0x80: {  	v6 =	vmul.f32 $6.400000000e+01, v7;
	v7 =	vld [tilespmem:s18+$0xFFFFFFB0];
	v3 =	vadd.f32 v3, v5  }
0x81: {  	v2 =	vmul.f32 $6.400000000e+01, v2;
	v5 =	vld [tilespmem:s8+$0xFFFFFFE0];
	[tilespmem:s15+$0x60] =	vst v1  }
0x82: {  	v1 =	vadd.f32 v8, v6;
	[tilespmem:s24+$0x30] =	vst v3;
	v3 =	vld [tilespmem:s8+$0x70]  }
0x83: {  	s24 =	sadd.s32 $0x100, s24;
	v2 =	vadd.f32 v4, v2;
	v4 =	vld [tilespmem:s9+$0x40]  }
0x84: {  	[tilespmem:s24+$0x0] =	vst v1;
	v1 =	vmul.f32 $6.400000000e+01, v9;
	v6 =	vld [tilespmem:s5+$0x70]  }
0x85: {  	[tilespmem:s24+$0xFFFFFF80] =	vst v2;
	v2 =	vld [tilespmem:s21+$0x10]  }
0x86: {  	v1 =	vadd.f32 v7, v1;
	v7 =	vld [tilespmem:s18+$0x40];
	v5 =	vmul.f32 $6.400000000e+01, v5  }
0x87: {  	v8 =	vld [tilespmem:s22+$0x10];
	v3 =	vmul.f32 $6.400000000e+01, v3  }
0x88: {  	v9 =	vld [tilespmem:s21+$0xFFFFFF90];
	[tilespmem:s13+$0xFFFFFFB0] =	vst v1  }
0x89: {  	v4 =	vmul.f32 $6.400000000e+01, v4;
	v1 =	vld [tilespmem:s22+$0xFFFFFF90];
	v3 =	vadd.f32 v6, v3  }
0x8a: {  	v2 =	vmul.f32 $6.400000000e+01, v2;
	v6 =	vld [tilespmem:s9+$0xFFFFFFC0]  }
0x8b: {  	v10 =	vld [tilespmem:s18+$0xFFFFFFC0];
	v4 =	vadd.f32 v7, v4;
	[tilespmem:s15+$0x70] =	vst v3  }
0x8c: {  	v2 =	vadd.f32 v8, v2;
	v3 =	vld [tilespmem:s5+$0xFFFFFFE0]  }
0x8d: {  	v7 =	vmul.f32 $6.400000000e+01, v9;
	[tilespmem:s13+$0x40] =	vst v4;
	v4 =	vld [tilespmem:s12+$0xFFFFFFF0];
	s12 =	smov.u32 s5;
	s5 =	smov.u32 s18;
	s18 =	smov.u32 s22  }
0x8e: {  	[tilespmem:s24+$0x10] =	vst v2;
	v2 =	vld [tilespmem:s9+$0x50]  }
0x8f: {  	v1 =	vadd.f32 v1, v7;
	v7 =	vld [tilespmem:s21+$0x20];
	v6 =	vmul.f32 $6.400000000e+01, v6  }
0x90: {  	v8 =	vld [tilespmem:s5+$0x50]  }
0x91: {  	[tilespmem:s24+$0xFFFFFF90] =	vst v1;
	v9 =	vld [tilespmem:s22+$0x20];
	v1 =	vadd.f32 v10, v6;
	v6 =	vadd.f32 v3, v5  }
.Ltmp0:
0x92: {  	v5 =	vld [tilespmem:s21+$0xFFFFFFA0];
	v0 =	vadd.f32 v4, v0;
	(pc) =	sbr.rel @p1 .LBB2_3-.Ltmp0, $4  }
0x93: {  	v3 =	vld [tilespmem:s22+$0xFFFFFFA0];
	[tilespmem:s13+$0xFFFFFFC0] =	vst v1;
	v4 =	vmul.f32 $6.400000000e+01, v2  }
0x94: {  	v7 =	vmul.f32 $6.400000000e+01, v7;
	v2 =	vld [tilespmem:s9+$0xFFFFFFD0];
	[tilespmem:s15+$0xFFFFFFE0] =	vst v6  }
0x95: {  	v1 =	vld [tilespmem:s5+$0xFFFFFFD0];
	v4 =	vadd.f32 v8, v4;
	[tilespmem:s0+$0xFFFFFFF0] =	vst v0;
	s0 =	smov.u32 s15;
	s15 =	smov.u32 s13;
	s13 =	smov.u32 s24  }
0x96: {  	v6 =	vadd.f32 v9, v7;
	v0 =	vld [tilespmem:s8+$0xFFFFFFF0];
	s8 =	smov.u32 s9;
	s9 =	smov.u32 s21;
	s21 =	sadd.s32 $0x100, s21  }
0x97: {  	v5 =	vmul.f32 $6.400000000e+01, v5;
	_ =	sdelay $0x1  }
0x98: {  	[tilespmem:s24+$0x20] =	vst v6;
	v3 =	vadd.f32 v3, v5  }
0x99: {  	v5 =	vld [tilespmem:s9+$0x30]  }
0x9a: {  	[tilespmem:s24+$0xFFFFFFA0] =	vst v3;
	v3 =	vld [tilespmem:s22+$0x30]  }
0x9b: {  	v6 =	vld [tilespmem:s9+$0xFFFFFFB0];
	_ =	sdelay $0x1  }
0x9c: {  	v7 =	vld [tilespmem:s18+$0xFFFFFFB0]  }
0x9d: {  	v5 =	vmul.f32 $6.400000000e+01, v5;
	_ =	sdelay $0x1  }
0x9e: {  	v3 =	vadd.f32 v3, v5;
	v5 =	vmul.f32 $6.400000000e+01, v6;
	_ =	sdelay $0x1  }
0x9f: {  	[tilespmem:s24+$0x30] =	vst v3;
	v3 =	vadd.f32 v7, v5  }
0xa0: {  	v5 =	vld [tilespmem:s9+$0x40]  }
0xa1: {  	v6 =	vld [tilespmem:s18+$0x40];
	[tilespmem:s13+$0xFFFFFFB0] =	vst v3  }
0xa2: {  	v3 =	vld [tilespmem:s9+$0xFFFFFFC0];
	_ =	sdelay $0x1  }
0xa3: {  	v7 =	vld [tilespmem:s18+$0xFFFFFFC0]  }
0xa4: {  	v5 =	vmul.f32 $6.400000000e+01, v5;
	_ =	sdelay $0x1  }
0xa5: {  	v5 =	vadd.f32 v6, v5;
	v3 =	vmul.f32 $6.400000000e+01, v3;
	_ =	sdelay $0x1  }
0xa6: {  	[tilespmem:s13+$0x40] =	vst v5;
	v3 =	vadd.f32 v7, v3  }
0xa7: {  	v5 =	vld [tilespmem:s9+$0x50]  }
0xa8: {  	v6 =	vld [tilespmem:s18+$0x50];
	[tilespmem:s13+$0xFFFFFFC0] =	vst v3  }
0xa9: {  	v3 =	vld [tilespmem:s9+$0xFFFFFFD0]  }
0xaa: {  	v2 =	vmul.f32 $6.400000000e+01, v2  }
0xab: {  	v7 =	vld [tilespmem:s18+$0xFFFFFFD0]  }
0xac: {  	[tilespmem:s15+$0x50] =	vst v4;
	v1 =	vadd.f32 v1, v2;
	v2 =	vmul.f32 $6.400000000e+01, v5  }
0xad: {  	v4 =	vld [tilespmem:s8+$0x60]  }
0xae: {  	[tilespmem:s15+$0xFFFFFFD0] =	vst v1;
	v1 =	vadd.f32 v6, v2;
	v2 =	vmul.f32 $6.400000000e+01, v3  }
0xaf: {  	v5 =	vld [tilespmem:s5+$0x60]  }
0xb0: {  	v3 =	vld [tilespmem:s8+$0xFFFFFFE0];
	[tilespmem:s13+$0x50] =	vst v1;
	v1 =	vadd.f32 v7, v2  }
0xb1: {  	v6 =	vld [tilespmem:s5+$0xFFFFFFE0]  }
0xb2: {  	v4 =	vmul.f32 $6.400000000e+01, v4;
	v2 =	vld [tilespmem:s9+$0x60];
	[tilespmem:s13+$0xFFFFFFD0] =	vst v1  }
0xb3: {  	v1 =	vld [tilespmem:s9+$0xFFFFFFE0]  }
0xb4: {  	v7 =	vld [tilespmem:s18+$0x60];
	v4 =	vadd.f32 v5, v4  }
0xb5: {  	v3 =	vmul.f32 $6.400000000e+01, v3;
	v5 =	vld [tilespmem:s18+$0xFFFFFFE0]  }
0xb6: {  	[tilespmem:s15+$0x60] =	vst v4  }
0xb7: {  	v4 =	vld [tilespmem:s8+$0x70];
	v2 =	vmul.f32 $6.400000000e+01, v2;
	v3 =	vadd.f32 v6, v3  }
0xb8: {  	v6 =	vld [tilespmem:s5+$0x70];
	v1 =	vmul.f32 $6.400000000e+01, v1  }
0xb9: {  	v2 =	vadd.f32 v7, v2;
	v7 =	vld [tilespmem:s12+$0xFFFFFFF0];
	[tilespmem:s15+$0xFFFFFFE0] =	vst v3  }
0xba: {  	v3 =	vld [tilespmem:s8+$0xFFFFFFF0];
	v1 =	vadd.f32 v5, v1  }
0xbb: {  	v8 =	vld [tilespmem:s5+$0xFFFFFFF0];
	[tilespmem:s13+$0x60] =	vst v2  }
0xbc: {  	v2 =	vld [tilespmem:s9+$0x70];
	[tilespmem:s13+$0xFFFFFFE0] =	vst v1  }
0xbd: {  	v1 =	vld [tilespmem:s9+$0xFFFFFFF0]  }
0xbe: {  	v0 =	vmul.f32 $6.400000000e+01, v0;
	v5 =	vld [tilespmem:s18+$0x70]  }
0xbf: {  	v4 =	vmul.f32 $6.400000000e+01, v4;
	v9 =	vld [tilespmem:s18+$0xFFFFFFF0]  }
0xc0: {  	v0 =	vadd.f32 v7, v0;
	v3 =	vmul.f32 $6.400000000e+01, v3  }
0xc1: {  	v4 =	vadd.f32 v6, v4;
	v2 =	vmul.f32 $6.400000000e+01, v2  }
0xc2: {  	[tilespmem:s0+$0xFFFFFFF0] =	vst v0;
	v0 =	vadd.f32 v8, v3;
	v1 =	vmul.f32 $6.400000000e+01, v1  }
0xc3: {  	[tilespmem:s15+$0x70] =	vst v4;
	v2 =	vadd.f32 v5, v2  }
0xc4: {  	s21 =	sadd.s32 s7, s11;
	[tilespmem:s15+$0xFFFFFFF0] =	vst v0;
	v1 =	vadd.f32 v9, v1  }
0xc5: {  	s0 =	sshll.u32 s21, $0x4;
	[tilespmem:s13+$0x70] =	vst v2  }
0xc6: {  	s22 =	simm.s32 $0x4100;
	s0 =	sadd.s32 s2, s0;
	[tilespmem:s13+$0xFFFFFFF0] =	vst v1  }
0xc7: {  	[hbm4b:s0+s3] =	stream.linear.scatter [tilespmem:s22], [sflag:$0x5], $0x2000, $0x38;
	[tilespmem:$0xE500] =	vst v63  }
0xc8: {  	s0 =	sadd.s32 @!p0 s6, s1;
	_ =	swait.ge [sflag:s20], $0x2000  }
0xc9: {  	s5 =	simm.s32 @!p0 $0x0;
	s0 =	sshll.u32 @!p0 s0, $0x4;
	[sflag:s20] =	ssyncset.done $0x0  }
0xca: {  	s8 =	simm.s32 @!p0 $0x80;
	s0 =	sadd.s32 @!p0 s0, s10;
	[sflag:s20] =	ssyncadd.s32 $0xFFFFE000  }
0xcb: {  	[tilespmem:s8], [sflag:$0x4] =	stream.linear.gather @!p0 [hbm4b:s0+s5], $0x80, $0x38;
	[tilespmem:$0xE500] =	vst v63  }
0xcc: {  	s0 =	simm.s32 @!p0 $0x3  }
0xcd: {  	_ =	swait.ge @!p0 [sflag:s0], $0x80  }
0xce: {  	[sflag:s0] =	ssyncset.done @!p0 $0x0  }
0xcf: {  	p1 =	seq.s32 @!p0 s30, $0x0;
	[sflag:s0] =	ssyncadd.s32 @!p0 $0xFFFFFF80;
	s0 =	simm.s32 @!p0 $0x100  }
0xd0: {  	[tilespmem:s0], [sflag:$0x1] =	stream.indirect.gather @!p0 [hbm4b:s4+s8], $0x40, s5, s8, $0xb8;
	[tilespmem:$0xE500] =	vst v63  }
0xd1: {  	p0 =	por p0, !p1  }
0xd2: {  	_ =	swait.ge @p0 [sflag:s23], $0x2000  }
0xd3: {  	[sflag:s23] =	ssyncset.done @p0 $0x0  }
0xd4: {  	s24 =	simm.s32 $0x21F0;
	[sflag:s23] =	ssyncadd.s32 @p0 $0xFFFFE000  }
0xd5: {  	v0 =	vld [tilespmem:s24+$0xFFFFFF90];
	_ =	sdelay $0x1  }
0xd6: {  	v1 =	vld [tilespmem:s31+$0xFFFFFF90];
	_ =	sdelay $0x2  }
0xd7: {  	v0 =	vmul.f32 $6.400000000e+01, v0;
	_ =	sdelay $0x1  }
0xd8: {  	v2 =	vld [tilespmem:s24+$0xFFFFFF10];
	v0 =	vadd.f32 v1, v0  }
0xd9: {  	s0 =	simm.s32 $0x61F0  }
0xda: {  	v1 =	vld [tilespmem:s31+$0xFFFFFF10];
	[tilespmem:s0+$0xFFFFFF90] =	vst v0  }
0xdb: {  	v0 =	vld [tilespmem:s24+$0xFFFFFFA0];
	_ =	sdelay $0x1  }
0xdc: {  	v2 =	vmul.f32 $6.400000000e+01, v2;
	v3 =	vld [tilespmem:s31+$0xFFFFFFA0];
	_ =	sdelay $0x1  }
0xdd: {  	v1 =	vadd.f32 v1, v2  }
0xde: {  	v0 =	vmul.f32 $6.400000000e+01, v0  }
0xdf: {  	[tilespmem:s0+$0xFFFFFF10] =	vst v1  }
0xe0: {  	v1 =	vld [tilespmem:s24+$0xFFFFFF20];
	v0 =	vadd.f32 v3, v0;
	_ =	sdelay $0x1  }
0xe1: {  	v2 =	vld [tilespmem:s31+$0xFFFFFF20];
	[tilespmem:s0+$0xFFFFFFA0] =	vst v0  }
0xe2: {  	v0 =	vld [tilespmem:s24+$0xFFFFFFB0];
	_ =	sdelay $0x1  }
0xe3: {  	v1 =	vmul.f32 $6.400000000e+01, v1;
	v3 =	vld [tilespmem:s31+$0xFFFFFFB0];
	_ =	sdelay $0x1  }
0xe4: {  	v1 =	vadd.f32 v2, v1  }
0xe5: {  	v0 =	vmul.f32 $6.400000000e+01, v0  }
0xe6: {  	[tilespmem:s0+$0xFFFFFF20] =	vst v1  }
0xe7: {  	v1 =	vld [tilespmem:s24+$0xFFFFFF30];
	v0 =	vadd.f32 v3, v0;
	_ =	sdelay $0x1  }
0xe8: {  	v2 =	vld [tilespmem:s31+$0xFFFFFF30];
	[tilespmem:s0+$0xFFFFFFB0] =	vst v0  }
0xe9: {  	s12 =	simm.s32 $0x22F0;
	v0 =	vld [tilespmem:s24+$0xFFFFFFC0]  }
0xea: {  	v3 =	vld [tilespmem:s12+$0xFFFFFF90]  }
0xeb: {  	s8 =	sadd.s32 $0x100, s31;
	v1 =	vmul.f32 $6.400000000e+01, v1;
	v4 =	vld [tilespmem:s31+$0xFFFFFFC0]  }
0xec: {  	v5 =	vld [tilespmem:s8+$0xFFFFFF90]  }
0xed: {  	v1 =	vadd.f32 v2, v1  }
0xee: {  	v2 =	vld [tilespmem:s12+$0xFFFFFF10];
	v0 =	vmul.f32 $6.400000000e+01, v0  }
0xef: {  	v3 =	vmul.f32 $6.400000000e+01, v3;
	[tilespmem:s0+$0xFFFFFF30] =	vst v1;
	v1 =	vld [tilespmem:s8+$0xFFFFFF10]  }
0xf0: {  	v6 =	vld [tilespmem:s24+$0xFFFFFF40];
	v0 =	vadd.f32 v4, v0  }
0xf1: {  	v3 =	vadd.f32 v5, v3  }
0xf2: {  	s5 =	simm.s32 $0x62F0;
	v4 =	vld [tilespmem:s31+$0xFFFFFF40];
	[tilespmem:s0+$0xFFFFFFC0] =	vst v0  }
0xf3: {  	[tilespmem:s5+$0xFFFFFF90] =	vst v3;
	v0 =	vmul.f32 $6.400000000e+01, v2;
	v2 =	vld [tilespmem:s24+$0xFFFFFFD0]  }
0xf4: {  	v3 =	vld [tilespmem:s12+$0xFFFFFFA0]  }
0xf5: {  	v5 =	vld [tilespmem:s31+$0xFFFFFFD0];
	v0 =	vadd.f32 v1, v0;
	v1 =	vmul.f32 $6.400000000e+01, v6  }
0xf6: {  	v6 =	vld [tilespmem:s8+$0xFFFFFFA0]  }
0xf7: {  	[tilespmem:s5+$0xFFFFFF10] =	vst v0;
	v0 =	vadd.f32 v4, v1  }
0xf8: {  	v1 =	vld [tilespmem:s12+$0xFFFFFF20];
	v2 =	vmul.f32 $6.400000000e+01, v2  }
0xf9: {  	v3 =	vmul.f32 $6.400000000e+01, v3;
	[tilespmem:s0+$0xFFFFFF40] =	vst v0;
	v0 =	vld [tilespmem:s8+$0xFFFFFF20]  }
0xfa: {  	v4 =	vld [tilespmem:s24+$0xFFFFFF50];
	v2 =	vadd.f32 v5, v2  }
0xfb: {  	v3 =	vadd.f32 v6, v3  }
0xfc: {  	v5 =	vld [tilespmem:s31+$0xFFFFFF50];
	[tilespmem:s0+$0xFFFFFFD0] =	vst v2  }
0xfd: {  	[tilespmem:s5+$0xFFFFFFA0] =	vst v3;
	v1 =	vmul.f32 $6.400000000e+01, v1;
	v2 =	vld [tilespmem:s24+$0xFFFFFFE0]  }
0xfe: {  	v3 =	vld [tilespmem:s12+$0xFFFFFFB0]  }
0xff: {  	v0 =	vadd.f32 v0, v1;
	v1 =	vmul.f32 $6.400000000e+01, v4;
	v4 =	vld [tilespmem:s31+$0xFFFFFFE0]  }
0x100: {  	v6 =	vld [tilespmem:s8+$0xFFFFFFB0]  }
0x101: {  	[tilespmem:s5+$0xFFFFFF20] =	vst v0;
	v0 =	vadd.f32 v5, v1  }
0x102: {  	v1 =	vld [tilespmem:s12+$0xFFFFFF30];
	v2 =	vmul.f32 $6.400000000e+01, v2  }
0x103: {  	v5 =	vld [tilespmem:s8+$0xFFFFFF30];
	[tilespmem:s0+$0xFFFFFF50] =	vst v0;
	v0 =	vmul.f32 $6.400000000e+01, v3  }
0x104: {  	v3 =	vld [tilespmem:s24+$0xFFFFFF60];
	v2 =	vadd.f32 v4, v2  }
0x105: {  	s9 =	simm.s32 $0x23F0;
	v4 =	vld [tilespmem:s31+$0xFFFFFF60];
	v0 =	vadd.f32 v6, v0  }
0x106: {  	v6 =	vld [tilespmem:s9+$0xFFFFFF90];
	[tilespmem:s0+$0xFFFFFFE0] =	vst v2  }
0x107: {  	[tilespmem:s5+$0xFFFFFFB0] =	vst v0;
	v0 =	vld [tilespmem:s24+$0xFFFFFFF0]  }
0x108: {  	v2 =	vld [tilespmem:s12+$0xFFFFFFC0]  }
0x109: {  	v1 =	vmul.f32 $6.400000000e+01, v1;
	v7 =	vld [tilespmem:s31+$0xFFFFFFF0]  }
0x10a: {  	s13 =	sadd.s32 $0x100, s8;
	v8 =	vld [tilespmem:s8+$0xFFFFFFC0]  }
0x10b: {  	v1 =	vadd.f32 v5, v1;
	v3 =	vmul.f32 $6.400000000e+01, v3;
	v5 =	vld [tilespmem:s13+$0xFFFFFF90]  }
0x10c: {  	v61 =	vld [tilespmem:s9+$0xFFFFFF10];
	v0 =	vmul.f32 $6.400000000e+01, v0  }
0x10d: {  	[tilespmem:s5+$0xFFFFFF30] =	vst v1;
	v1 =	vadd.f32 v4, v3;
	v3 =	vld [tilespmem:s13+$0xFFFFFF10];
	v2 =	vmul.f32 $6.400000000e+01, v2  }
0x10e: {  	v6 =	vmul.f32 $6.400000000e+01, v6;
	v4 =	vld [tilespmem:s12+$0xFFFFFF40];
	v0 =	vadd.f32 v7, v0  }
0x10f: {  	[tilespmem:s0+$0xFFFFFF60] =	vst v1;
	v1 =	vld [tilespmem:s8+$0xFFFFFF40];
	v2 =	vadd.f32 v8, v2  }
0x110: {  	v7 =	vld [tilespmem:s24+$0xFFFFFF70];
	[tilespmem:s0+$0xFFFFFFF0] =	vst v0;
	v0 =	vadd.f32 v5, v6  }
0x111: {  	s18 =	simm.s32 $0x63F0;
	v5 =	vmul.f32 $6.400000000e+01, v61;
	[tilespmem:s5+$0xFFFFFFC0] =	vst v2;
	v2 =	vld [tilespmem:s24+$0x0]  }
0x112: {  	v6 =	vld [tilespmem:s12+$0xFFFFFFD0];
	[tilespmem:s18+$0xFFFFFF90] =	vst v0  }
0x113: {  	v0 =	vadd.f32 v3, v5;
	v3 =	vmul.f32 $6.400000000e+01, v4;
	v4 =	vld [tilespmem:s9+$0xFFFFFFA0]  }
0x114: {  	v5 =	vld [tilespmem:s8+$0xFFFFFFD0]  }
0x115: {  	[tilespmem:s18+$0xFFFFFF10] =	vst v0;
	v0 =	vadd.f32 v1, v3;
	v1 =	vld [tilespmem:s13+$0xFFFFFFA0]  }
0x116: {  	v3 =	vld [tilespmem:s9+$0xFFFFFF20]  }
0x117: {  	[tilespmem:s5+$0xFFFFFF40] =	vst v0;
	v0 =	vld [tilespmem:s13+$0xFFFFFF20];
	v6 =	vmul.f32 $6.400000000e+01, v6  }
0x118: {  	v8 =	vld [tilespmem:s12+$0xFFFFFF50];
	v4 =	vmul.f32 $6.400000000e+01, v4  }
0x119: {  	v62 =	vld [tilespmem:s31+$0x0];
	v5 =	vadd.f32 v5, v6  }
0x11a: {  	v6 =	vld [tilespmem:s8+$0xFFFFFF50];
	v1 =	vadd.f32 v1, v4  }
0x11b: {  	v4 =	vld [tilespmem:s31+$0xFFFFFF70];
	v3 =	vmul.f32 $6.400000000e+01, v3;
	[tilespmem:s5+$0xFFFFFFD0] =	vst v5  }
0x11c: {  	[tilespmem:s18+$0xFFFFFFA0] =	vst v1;
	v1 =	vld [tilespmem:s12+$0xFFFFFFE0]  }
0x11d: {  	v0 =	vadd.f32 v0, v3;
	v5 =	vmul.f32 $6.400000000e+01, v8;
	v3 =	vld [tilespmem:s9+$0xFFFFFFB0]  }
0x11e: {  	v8 =	vld [tilespmem:s8+$0xFFFFFFE0]  }
0x11f: {  	v7 =	vmul.f32 $6.400000000e+01, v7;
	[tilespmem:s18+$0xFFFFFF20] =	vst v0;
	v0 =	vld [tilespmem:s13+$0xFFFFFFB0];
	v6 =	vadd.f32 v6, v5  }
0x120: {  	v2 =	vmul.f32 $6.400000000e+01, v2;
	v5 =	vld [tilespmem:s9+$0xFFFFFF30]  }
0x121: {  	v7 =	vadd.f32 v4, v7;
	v4 =	vld [tilespmem:s13+$0xFFFFFF30];
	[tilespmem:s5+$0xFFFFFF50] =	vst v6;
	v63 =	vmul.f32 $6.400000000e+01, v1  }
0x122: {  	v6 =	vadd.f32 v62, v2;
	v2 =	vld [tilespmem:s12+$0xFFFFFF60];
	v10 =	vmul.f32 $6.400000000e+01, v3  }
0x123: {  	s19 =	simm.s32 $0x4;
	s11 =	simm.s32 $0x63F0;
	[tilespmem:s0+$0xFFFFFF70] =	vst v7;
	v1 =	vld [tilespmem:s8+$0xFFFFFF60];
	v3 =	vadd.f32 v8, v63  }
0x124: {  	s21 =	simm.s32 $0x24F0;
	s1 =	sshll.u32 s1, $0x6;
	s15 =	smov.u32 s13;
	[tilespmem:s0+$0x0] =	vst v6;
	v6 =	vadd.f32 v0, v10;
	v0 =	vld [tilespmem:s24+$0xFFFFFF80]  }
.LBB2_5:
0x125: {  	v7 =	vld [tilespmem:s21+$0xFFFFFF90];
	v5 =	vmul.f32 $6.400000000e+01, v5;
	[tilespmem:s5+$0xFFFFFFE0] =	vst v3  }
0x126: {  	[tilespmem:s18+$0xFFFFFFB0] =	vst v6;
	v3 =	vld [tilespmem:s12+$0xFFFFFFF0]  }
0x127: {  	v4 =	vadd.f32 v4, v5;
	v5 =	vld [tilespmem:s9+$0xFFFFFFC0];
	v2 =	vmul.f32 $6.400000000e+01, v2  }
0x128: {  	v6 =	vld [tilespmem:s8+$0xFFFFFFF0]  }
0x129: {  	[tilespmem:s18+$0xFFFFFF30] =	vst v4;
	v4 =	vld [tilespmem:s13+$0xFFFFFFC0];
	v1 =	vadd.f32 v1, v2;
	v0 =	vmul.f32 $6.400000000e+01, v0  }
0x12a: {  	s19 =	sadd.s32 $0x2, s19;
	s13 =	sadd.s32 $0x100, s13;
	v2 =	vld [tilespmem:s21+$0xFFFFFF10]  }
0x12b: {  	p0 =	slt.u32 s19, $0x3E;
	v8 =	vld [tilespmem:s13+$0xFFFFFF90];
	[tilespmem:s5+$0xFFFFFF60] =	vst v1;
	v1 =	vmul.f32 $6.400000000e+01, v3  }
0x12c: {  	v3 =	vld [tilespmem:s13+$0xFFFFFF10];
	v5 =	vmul.f32 $6.400000000e+01, v5  }
0x12d: {  	v9 =	vld [tilespmem:s9+$0xFFFFFF40];
	v1 =	vadd.f32 v6, v1  }
0x12e: {  	v6 =	vmul.f32 $6.400000000e+01, v7;
	v7 =	vld [tilespmem:s15+$0xFFFFFF40];
	v4 =	vadd.f32 v4, v5  }
0x12f: {  	v2 =	vmul.f32 $6.400000000e+01, v2;
	v5 =	vld [tilespmem:s12+$0xFFFFFF70];
	[tilespmem:s5+$0xFFFFFFF0] =	vst v1  }
0x130: {  	v1 =	vadd.f32 v8, v6;
	[tilespmem:s18+$0xFFFFFFC0] =	vst v4;
	v4 =	vld [tilespmem:s12+$0x0]  }
0x131: {  	s18 =	sadd.s32 $0x100, s18;
	v2 =	vadd.f32 v3, v2;
	v3 =	vld [tilespmem:s9+$0xFFFFFFD0]  }
0x132: {  	[tilespmem:s18+$0xFFFFFF90] =	vst v1;
	v1 =	vmul.f32 $6.400000000e+01, v9;
	v6 =	vld [tilespmem:s8+$0x0]  }
0x133: {  	[tilespmem:s18+$0xFFFFFF10] =	vst v2;
	v2 =	vld [tilespmem:s21+$0xFFFFFFA0]  }
0x134: {  	v1 =	vadd.f32 v7, v1;
	v7 =	vld [tilespmem:s15+$0xFFFFFFD0];
	v5 =	vmul.f32 $6.400000000e+01, v5  }
0x135: {  	v8 =	vld [tilespmem:s13+$0xFFFFFFA0];
	v4 =	vmul.f32 $6.400000000e+01, v4  }
0x136: {  	v9 =	vld [tilespmem:s21+$0xFFFFFF20];
	[tilespmem:s11+$0xFFFFFF40] =	vst v1  }
0x137: {  	v3 =	vmul.f32 $6.400000000e+01, v3;
	v1 =	vld [tilespmem:s13+$0xFFFFFF20];
	v4 =	vadd.f32 v6, v4  }
0x138: {  	v2 =	vmul.f32 $6.400000000e+01, v2;
	v6 =	vld [tilespmem:s9+$0xFFFFFF50]  }
0x139: {  	v10 =	vld [tilespmem:s15+$0xFFFFFF50];
	v3 =	vadd.f32 v7, v3;
	[tilespmem:s5+$0x0] =	vst v4  }
0x13a: {  	v2 =	vadd.f32 v8, v2;
	v4 =	vld [tilespmem:s8+$0xFFFFFF70]  }
0x13b: {  	v7 =	vmul.f32 $6.400000000e+01, v9;
	[tilespmem:s11+$0xFFFFFFD0] =	vst v3;
	v3 =	vld [tilespmem:s31+$0xFFFFFF80];
	s31 =	smov.u32 s8;
	s8 =	smov.u32 s15;
	s15 =	smov.u32 s13  }
0x13c: {  	[tilespmem:s18+$0xFFFFFFA0] =	vst v2;
	v2 =	vld [tilespmem:s9+$0xFFFFFFE0]  }
0x13d: {  	v1 =	vadd.f32 v1, v7;
	v7 =	vld [tilespmem:s21+$0xFFFFFFB0];
	v6 =	vmul.f32 $6.400000000e+01, v6  }
0x13e: {  	v8 =	vld [tilespmem:s8+$0xFFFFFFE0]  }
0x13f: {  	[tilespmem:s18+$0xFFFFFF20] =	vst v1;
	v9 =	vld [tilespmem:s13+$0xFFFFFFB0];
	v1 =	vadd.f32 v10, v6;
	v6 =	vadd.f32 v4, v5  }
.Ltmp1:
0x140: {  	v5 =	vld [tilespmem:s21+$0xFFFFFF30];
	v0 =	vadd.f32 v3, v0;
	(pc) =	sbr.rel @p0 .LBB2_5-.Ltmp1, $4  }
0x141: {  	v4 =	vld [tilespmem:s13+$0xFFFFFF30];
	[tilespmem:s11+$0xFFFFFF50] =	vst v1;
	v3 =	vmul.f32 $6.400000000e+01, v2  }
0x142: {  	v7 =	vmul.f32 $6.400000000e+01, v7;
	v2 =	vld [tilespmem:s9+$0xFFFFFF60];
	[tilespmem:s5+$0xFFFFFF70] =	vst v6  }
0x143: {  	v1 =	vld [tilespmem:s8+$0xFFFFFF60];
	v3 =	vadd.f32 v8, v3;
	[tilespmem:s0+$0xFFFFFF80] =	vst v0;
	s0 =	smov.u32 s5;
	s5 =	smov.u32 s11;
	s11 =	smov.u32 s18  }
0x144: {  	v6 =	vadd.f32 v9, v7;
	v0 =	vld [tilespmem:s12+$0xFFFFFF80];
	s12 =	smov.u32 s9;
	s9 =	smov.u32 s21;
	s21 =	sadd.s32 $0x100, s21  }
0x145: {  	v5 =	vmul.f32 $6.400000000e+01, v5;
	_ =	sdelay $0x1  }
0x146: {  	v4 =	vadd.f32 v4, v5  }
0x147: {  	[tilespmem:s18+$0xFFFFFFB0] =	vst v6  }
0x148: {  	v40 =	vld [tilespmem:s9+$0xFFFFFFC0];
	[tilespmem:s18+$0xFFFFFF30] =	vst v4  }
0x149: {  	v42 =	vld [tilespmem:s9+$0xFFFFFF40]  }
0x14a: {  	v41 =	vld [tilespmem:s13+$0xFFFFFFC0]  }
0x14b: {  	v7 =	vld [tilespmem:s15+$0xFFFFFF40];
	_ =	sdelay $0x1  }
0x14c: {  	v5 =	vmul.f32 $6.400000000e+01, v40  }
0x14d: {  	v43 =	vmul.f32 $6.400000000e+01, v42  }
0x14e: {  	v4 =	vadd.f32 v41, v5  }
0x14f: {  	v44 =	vadd.f32 v7, v43  }
0x150: {  	[tilespmem:s18+$0xFFFFFFC0] =	vst v4  }
0x151: {  	v45 =	vld [tilespmem:s9+$0xFFFFFFD0];
	[tilespmem:s11+$0xFFFFFF40] =	vst v44  }
0x152: {  	v4 =	vld [tilespmem:s9+$0xFFFFFF50]  }
0x153: {  	v46 =	vld [tilespmem:s15+$0xFFFFFFD0]  }
0x154: {  	v47 =	vld [tilespmem:s15+$0xFFFFFF50];
	_ =	sdelay $0x1  }
0x155: {  	v5 =	vmul.f32 $6.400000000e+01, v45  }
0x156: {  	v4 =	vmul.f32 $6.400000000e+01, v4  }
0x157: {  	v5 =	vadd.f32 v46, v5  }
0x158: {  	v4 =	vadd.f32 v47, v4  }
0x159: {  	[tilespmem:s11+$0xFFFFFFD0] =	vst v5  }
0x15a: {  	v5 =	vld [tilespmem:s9+$0xFFFFFFE0];
	[tilespmem:s11+$0xFFFFFF50] =	vst v4  }
0x15b: {  	v4 =	vld [tilespmem:s9+$0xFFFFFF60]  }
0x15c: {  	v48 =	vld [tilespmem:s15+$0xFFFFFFE0]  }
0x15d: {  	v2 =	vmul.f32 $6.400000000e+01, v2;
	v49 =	vld [tilespmem:s15+$0xFFFFFF60];
	_ =	sdelay $0x1  }
0x15e: {  	[tilespmem:s5+$0xFFFFFFE0] =	vst v3;
	v1 =	vadd.f32 v1, v2;
	v50 =	vmul.f32 $6.400000000e+01, v5  }
0x15f: {  	v3 =	vld [tilespmem:s12+$0xFFFFFFF0];
	v53 =	vmul.f32 $6.400000000e+01, v4  }
0x160: {  	v51 =	vld [tilespmem:s8+$0xFFFFFFF0];
	[tilespmem:s5+$0xFFFFFF60] =	vst v1;
	v52 =	vadd.f32 v48, v50  }
0x161: {  	v54 =	vld [tilespmem:s12+$0xFFFFFF70];
	v56 =	vadd.f32 v49, v53  }
0x162: {  	v55 =	vld [tilespmem:s8+$0xFFFFFF70];
	[tilespmem:s11+$0xFFFFFFE0] =	vst v52  }
0x163: {  	v57 =	vld [tilespmem:s9+$0xFFFFFFF0];
	[tilespmem:s11+$0xFFFFFF60] =	vst v56  }
0x164: {  	v3 =	vmul.f32 $6.400000000e+01, v3;
	v1 =	vld [tilespmem:s9+$0xFFFFFF70]  }
0x165: {  	v58 =	vld [tilespmem:s15+$0xFFFFFFF0]  }
0x166: {  	v3 =	vadd.f32 v51, v3;
	v4 =	vmul.f32 $6.400000000e+01, v54;
	v59 =	vld [tilespmem:s15+$0xFFFFFF70];
	_ =	sdelay $0x1  }
0x167: {  	v61 =	vld [tilespmem:s31+$0xFFFFFF80];
	[tilespmem:s5+$0xFFFFFFF0] =	vst v3;
	v4 =	vadd.f32 v55, v4;
	v2 =	vmul.f32 $6.400000000e+01, v57  }
0x168: {  	v3 =	vld [tilespmem:s12+$0x0];
	v1 =	vmul.f32 $6.400000000e+01, v1  }
0x169: {  	v60 =	vld [tilespmem:s8+$0x0];
	[tilespmem:s5+$0xFFFFFF70] =	vst v4;
	v2 =	vadd.f32 v58, v2  }
0x16a: {  	v4 =	vld [tilespmem:s12+$0xFFFFFF80];
	v1 =	vadd.f32 v59, v1  }
0x16b: {  	v8 =	vld [tilespmem:s8+$0xFFFFFF80];
	[tilespmem:s11+$0xFFFFFFF0] =	vst v2  }
0x16c: {  	v2 =	vld [tilespmem:s9+$0x0];
	[tilespmem:s11+$0xFFFFFF70] =	vst v1  }
0x16d: {  	v1 =	vld [tilespmem:s9+$0xFFFFFF80]  }
0x16e: {  	v0 =	vmul.f32 $6.400000000e+01, v0;
	v62 =	vld [tilespmem:s15+$0x0]  }
0x16f: {  	v3 =	vmul.f32 $6.400000000e+01, v3;
	v9 =	vld [tilespmem:s15+$0xFFFFFF80]  }
0x170: {  	v0 =	vadd.f32 v61, v0;
	v4 =	vmul.f32 $6.400000000e+01, v4  }
0x171: {  	s30 =	sadd.s32 $0x1, s30;
	v3 =	vadd.f32 v60, v3;
	v2 =	vmul.f32 $6.400000000e+01, v2  }
0x172: {  	p0 =	sne.s32 s30, $0x64;
	[tilespmem:s0+$0xFFFFFF80] =	vst v0;
	v63 =	vadd.f32 v8, v4;
	v1 =	vmul.f32 $6.400000000e+01, v1  }
.Ltmp2:
0x173: {  	s24 =	sadd.s32 s7, s1;
	[tilespmem:s5+$0x0] =	vst v3;
	v2 =	vadd.f32 v62, v2;
	(pc) =	sbr.rel @p0 .LBB2_2-.Ltmp2, $4  }
0x174: {  	s31 =	simm.s32 $0x6100;
	s0 =	sshll.u32 s24, $0x4;
	[tilespmem:s5+$0xFFFFFF80] =	vst v63;
	v1 =	vadd.f32 v9, v1  }
0x175: {  	s25 =	sadd.s32 $0x4000, s25;
	s29 =	sadd.s32 $0x80, s29;
	s0 =	sand.u32 $0x1FFFFC00, s0;
	[tilespmem:s11+$0x0] =	vst v2  }
0x176: {  	s26 =	sadd.s32 $0x4000, s26;
	s28 =	sadd.s32 $0x80, s28;
	s0 =	sadd.s32 s2, s0;
	[tilespmem:s11+$0xFFFFFF80] =	vst v1  }
0x177: {  	[hbm4b:s0+s3] =	stream.linear.scatter [tilespmem:s31], [sflag:$0x6], $0x2000, $0x38;
	[tilespmem:$0xE500] =	vst v63  }
0x178: {  	s0 =	simm.s32 $0x5  }
0x179: {  	_ =	swait.ge [sflag:s0], $0x2000  }
0x17a: {  	[sflag:s0] =	ssyncset.done $0x0  }
0x17b: {  	[sflag:s0] =	ssyncadd.s32 $0xFFFFE000  }
0x17c: {  	_ =	swait.ge [sflag:s23], $0x2000  }
0x17d: {  	s1 =	rddreg [dreg:$0x7]  }
0x17e: {  	s31 =	rddreg [dreg:$0x6];
	s1 =	sadd.s32 $0x1, s1  }
0x17f: {  	p0 =	sne.s32 s1, s31  }
.Ltmp3:
0x180: {  	_ = 	snop;
	(pc) =	sbr.rel @p0 .LBB2_1-.Ltmp3, $3  }
0x181: {  	_ =	sdelay $0x1  }
0x182: {  	[sflag:s23] =	ssyncset.done $0x0  }
0x183: {  	[sflag:s23] =	ssyncadd.s32 $0xFFFFE000  }
0x184: {  	_ =	sfence.sel $0x180000  }
0x185: {  	[bflag:$0x0] =	sbarrier.arrive $0xFFFF  }
0x186: {  	_ =	strace $0x90000047  }
0x187: {  	s0 =	stileid.u32;
	[bflag:$0x2] =	sbarrier.arrive $0xFFFF  }
0x188: {  	p0 =	sne.s32 s0, $0x0;
	s0 =	rddreg [dreg:$0x2]  }
0x189: {  	s0 =	sadd.s32 @!p0 $0x100000, s0  }
0x18a: {  	[sflag:s0] =	ssyncadd.tile.s32 @!p0 $0x1;
	_ =	shalt  }
.Lfunc_end2:
_tile_overlayer_lowered:
.L_overlay_start_2:
0x18b: {  	(tag) =	ssettag $0x2  }
0x18c: {  	s0 =	rddreg [dreg:$0x0];
	s2 =	stileid.u32  }
0x18d: {  	s1 =	rddreg [dreg:$0x1];
	p0 =	sne.s32 s2, $0x0  }
0x18e: {  	s3 =	rddreg [dreg:$0x2];
	[bflag:$0x3] =	sbarrier.arrive $0xFFFF;
	s2 =	simm.s32 @!p0 $0x1C07  }
0x18f: {  	[timem:s3], [sflag:s2] =	dma.local @!p0 [hbm:s0], s1  }
0x190: {  	s0 =	simm.s32 @!p0 $0x7  }
0x191: {  	_ =	swait.ge @!p0 [sflag:s0], s1  }
0x192: {  	s1 =	ssub.s32 @!p0 $0x0, s1;
	[sflag:s0] =	ssyncset.done @!p0 $0x0  }
0x193: {  	[sflag:s0] =	ssyncadd.s32 @!p0 s1  }
0x194: {  	[bflag:$0x3] =	sbarrier.arrive $0xFFFF  }
0x195: {  	_ =	shalt  }

// kernel: sparse-core-data-format-call.cloned.1.call-start
scs
called_computation_lowered:
.L_overlay_start_0:
0x0: {  	s2 =	sld [smem:$0x3FD9]  }
0x1: {  	s3 =	sld [smem:$0x3FFE];
	_ =	sdelay $0x1  }
0x2: {  	s1 =	srdreg.scid  }
0x3: {  	s0 =	sand.u32 $0x1, s1  }
0x4: {  	s18 =	sshll.u32 s0, $0xA;
	s2 =	sadd.s32 s3, s2  }
0x5: {  	s2 =	sadd.s32 s2, s18  }
0x6: {  	[smem:$0x3FC5] =	sst s2  }
0x7: {  	_ = 	snop  }
0x8: {  	s2 =	sld [smem:$0x3FD0];
	(tm) =	ssettm $0x1  }
0x9: {  	s19 =	sld [smem:$0x3FFB];
	_ =	sdelay $0x3  }
0xa: {  	_ =	strace s19  }
0xb: {  	s3 =	sld [smem:$0x3FFC];
	_ =	sdelay $0x3  }
0xc: {  	_ =	strace s3  }
0xd: {  	s3 =	sld [smem:$0x3FFD];
	_ =	sdelay $0x3  }
0xe: {  	_ =	strace s3  }
0xf: {  	_ =	strace $0x8FFFFFFF  }
0x10: {  	s20 =	sld [smem:$0x3FDB];
	_ =	sdelay $0x1  }
0x11: {  	s4 =	simm.s32 $_scs_section_size  }
0x12: {  	s5 =	simm.s32 $_size__tile_overlayer_lowered;
	s6 =	simm.s32 $_tile_overlayer_lowered  }
0x13: {  	s23 =	simm.s32 $0x1BFF;
	s22 =	sshll.u32 s6, $0x1;
	s3 =	sadd.s32 s4, s20  }
0x14: {  	s7 =	simm.s32 $0x0;
	s21 =	sshll.u32 s5, $0x1;
	s5 =	sadd.s32 s22, s3  }
0x15: {  	[timem:s7], [sflag:s23] =	dma.local [hbm:s5], s21  }
0x16: {  	_ =	swait.ge [sflag:s23], s21  }
0x17: {  	s4 =	ssub.s32 $0x0, s21;
	[sflag:s23] =	ssyncset.done $0x0  }
0x18: {  	[sflag:s23] =	ssyncadd.s32 s4;
	_ =	sdelay $0x1  }
0x19: {  	s24 =	simm.s32 $0x1B8B  }
0x1a: {  	_ =	swait.ge [sflag:s24], $0x1  }
0x1b: {  	[sflag:s24] =	ssyncset.done $0x0  }
0x1c: {  	s26 =	simm.s32 $0x1B8E;
	s25 =	sld [smem:$0x3FFE];
	[sflag:s24] =	ssyncadd.s32 $0xFFFFFFFF  }
0x1d: {  	s27 =	simm.s32 $execute0_lowered;
	[smem:$0x3FD2] =	sst s26  }
0x1e: {  	s5 =	sshll.u32 s27, $0x1;
	_ =	strace $0x80000049;
	[dreg:$0x1] =	wrdreg $0xFFFFFFFF  }
0x1f: {  	s28 =	simm.s32 $_size_execute0_lowered;
	s3 =	sadd.s32 s3, s5;
	[dreg:$0x0] =	wrdreg $0x0  }
0x20: {  	s5 =	sshll.u32 s28, $0x1;
	[dreg:$0x2] =	wrdreg s3  }
0x21: {  	[dreg:$0x3] =	wrdreg s5  }
0x22: {  	[dreg:$0x4] =	wrdreg $0xC0  }
0x23: {  	_ =	task [dreg:s7], $0x5FFFF  }
0x24: {  	[dreg:$0x1] =	wrdreg $0xFFFFFFFF  }
0x25: {  	[dreg:$0x0] =	wrdreg $0x60  }
0x26: {  	[dreg:$0x2] =	wrdreg s25  }
0x27: {  	[dreg:$0x3] =	wrdreg s2  }
0x28: {  	[dreg:$0x4] =	wrdreg $0x9  }
0x29: {  	_ =	task.clear_ibuf [dreg:s7], $0x5FFFF;
	_ =	strace $0x90000049  }
0x2a: {  	s29 =	simm.s32 $0x9;
	_ =	strace $0x8000004B  }
0x2b: {  	_ =	swait.ge [sflag:s29], $0x1  }
0x2c: {  	[sflag:s29] =	ssyncadd.s32 $0xFFFFFFFF  }
0x2d: {  	_ =	strace $0x9000004B  }
0x2e: {  	_ =	sfence  }
0x2f: {  	s30 =	sld [smem:$0x0];
	_ =	sdelay $0x2  }
0x30: {  	s31 =	sshll.u32 s1, $0xD;
	s1 =	sshrl.u32 s1, $0x2  }
0x31: {  	s3 =	sand.u32 $0x4000, s31;
	s1 =	sadd.s32 s1, s30  }
0x32: {  	s0 =	sor.u32 s3, s0;
	s1 =	sshll.u32 s1, $0x11  }
0x33: {  	s0 =	sor.u32 s1, s0  }
0x34: {  	s0 =	sadd.s32 $0x8F2B, s0  }
0x35: {  	[sflag:s0] =	ssyncadd.remote.s32 $0x1  }
0x36: {  	_ =	sfence.sel $0xFFFF  }
0x37: {  	[dreg:$0x0] =	wrdreg $0xFFFFFFFF;
	(pc) =	sbr.abs _section_cstart, $3  }
0x38: {  	[dreg:$0x1] =	wrdreg $0xFFFFFFFF  }
0x39: {  	_ =	task.clear_ibuf [dreg:s7], $0x2FFFF;
	_ =	strace $0x9FFFFFFF  }
0x3a: {  	(tm) =	ssettm $0x7FFFFFFF  }
0x3b: {  	_ =	shalt  }
tec
execute0_lowered:
.L_overlay_start_1:
0x0: {  	(tag) =	ssettag $0x1  }
0x1: {  	s0 =	srdreg.scid  }
0x2: {  	s1 =	sshll.u32 s0, $0x4  }
0x3: {  	s0 =	stileid.u32;
	s1 =	sand.u32 $0x10, s1  }
0x4: {  	s1 =	sor.u32 s0, s1  }
0x5: {  	s6 =	rddreg [dreg:$0x0];
	s4 =	simm.s32 $0x1;
	s2 =	sshll.u32 s1, $0x7  }
0x6: {  	s7 =	simm.s32 $0x2;
	s12 =	simm.s32 $0x0;
	s1 =	ssub.s32 $0x1000, s2  }
0x7: {  	s8 =	simm.s32 $0x8000;
	s13 =	simm.s32 $0x0;
	s3 =	sand.u32 $0xF80, s1  }
0x8: {  	s9 =	simm.s32 $0x0;
	s5 =	sshrl.u32 s1, $0xC;
	p0 =	sne.s32 s3, $0x0  }
.Ltmp0:
0x9: {  	s1 =	rddreg [dreg:$0x2];
	s4 =	simm.s32 @!p0 $0x0;
	(pc) =	sbr.rel .LBB1_1-.Ltmp0, $4  }
0xa: {  	s11 =	simm.s32 $0x0;
	s3 =	rddreg [dreg:$0x1];
	s5 =	sadd.s32 s4, s5  }
0xb: {  	_ =	strace $0x8000004A;
	s4 =	simm.s32 $0x1;
	s5 =	smul.u32 $0xC8, s5  }
0xc: {  	s6 =	sadd.s32 $0xA00, s6;
	s10 =	smov.u32 s2;
	[sflag:s4] =	ssyncpa.u1 $0x0  }
0xd: {  	p0 =	por $0x0, $0x0;
	[sflag:s7] =	ssyncpa.u1 $0x0;
	s7 =	sor.u32 $0x1, s5  }
.LBB1_4:
0xe: {  	s16 =	sshll.u32 s13, $0x3;
	s17 =	sand.u32 $0x78, s13  }
0xf: {  	s30 =	sand.u32 $0x7E00, s13;
	s12 =	sshll.u32 s12, $0xF;
	s16 =	sand.u32 $0xC00, s16  }
0x10: {  	[tilespmem:s15+$0x810 ss:$0x81] =	vst.msk $0xffff, v2;
	s31 =	sand.u32 $0x7, s13;
	s16 =	sor.u32 s17, s16;
	s17 =	sadd.s32 s3, s30  }
0x11: {  	[tilespmem:s15+$0x1020 ss:$0x81] =	vst.msk $0xffff, v0;
	s13 =	sshll.u32 s31, $0x12;
	s12 =	sadd.s32 s12, s17;
	s16 =	sshrl.u32 s16, $0x3  }
0x12: {  	[tilespmem:s15+$0x0 ss:$0x81] =	vst.msk $0xffff, v1;
	s13 =	sor.u32 $0x400, s13;
	s12 =	sadd.s32 s16, s12  }
0x13: {  	[hbm4b:s12+s13] =	stream.strided.scatter [tilespmem:s14], [sflag:$0x2], $0x2000, s8, s13, $0x20;
	[tilespmem:$0x8080] =	vst v63  }
.LBB1_5:
0x14: {  	s14 =	sadd.s32 $0x1, s9  }
0x15: {  	s12 =	sadd.s32 $0x1000, s10;
	s16 =	smov.u32 s10;
	p2 =	sgt.s32 s14, $0xC7  }
0x16: {  	s16 =	smov.u32 @p2 s12  }
0x17: {  	s14 =	simm.s32 @p2 $0x0;
	p2 =	sgt.s32 s16, $0xFFF  }
0x18: {  	s16 =	smov.u32 @p2 s2;
	p2 =	sne.s32 s11, s7  }
.Ltmp1:
0x19: {  	p1 =	slt.u32 s11, $0x2;
	(pc) =	sbr.rel @!p2 .LBB1_6-.Ltmp1, $4  }
0x1a: {  	s15 =	simm.s32 @!p1 $0x2  }
0x1b: {  	s13 =	smov.u32 s10;
	p0 =	por !p0, !p0;
	_ =	swait.ge @!p1 [sflag:s15], $0x2000  }
0x1c: {  	s12 =	smov.u32 s9;
	[sflag:s15] =	ssyncset.done @!p1 $0x0;
	s9 =	smov.u32 s14  }
0x1d: {  	s11 =	sadd.s32 $0x1, s11;
	[sflag:s15] =	ssyncadd.s32 @!p1 $0xFFFFE000;
	s10 =	smov.u32 s16  }
.LBB1_1:
0x1e: {  	p1 =	sge.u32 s11, s5  }
0x1f: {  	s14 =	sand.u32 @!p1 $0x1FFFFFF, s9  }
0x20: {  	s15 =	smulhi.u32 @!p1 $0x147AE15, s14;
	_ =	sdelay $0x1  }
0x21: {  	s15 =	smul.u32 @!p1 $0xC8, s15  }
0x22: {  	s16 =	sxor.u32 @!p1 $0xFFFFFFFF, s11;
	s17 =	smul.u32 @!p1 $0xC80, s10  }
0x23: {  	s31 =	sadd.s32 $0xFFFFFFFF, s11;
	s16 =	sshll.u32 @!p1 s16, $0xD;
	s14 =	ssub.s32 @!p1 s14, s15  }
0x24: {  	s15 =	sand.u32 @!p1 $0x2000, s16;
	s16 =	sadd.s32 @!p1 s6, s17;
	s14 =	sshll.u32 @!p1 s14, $0x4  }
0x25: {  	s17 =	simm.s32 @!p1 $0x6400;
	s14 =	sadd.s32 @!p1 s14, s16;
	s16 =	simm.s32 @!p1 $0x40  }
0x26: {  	[tilespmem:s15], [sflag:$0x1] =	stream.strided.gather @!p1 [hbm4b:s14+s16], $0x2000, s17, s16, $0x38;
	[tilespmem:$0x8080] =	vst v63  }
0x27: {  	p1 =	sge.u32 s31, s5  }
.Ltmp2:
0x28: {  	_ = 	snop;
	(pc) =	sbr.rel @p1 .LBB1_5-.Ltmp2, $1  }
0x29: {  	_ =	sdelay $0x3  }
0x2a: {  	s14 =	simm.s32 $0x1  }
0x2b: {  	_ =	swait.ge [sflag:s4], $0x2000;
	s14 =	simm.s32 @!p0 $0x0  }
0x2c: {  	[sflag:s4] =	ssyncset.done $0x0;
	s15 =	sshll.u32 s14, $0xD  }
0x2d: {  	[sflag:s4] =	ssyncadd.s32 $0xFFFFE000;
	s18 =	sor.u32 $0x20, s15  }
0x2e: {  	s14 =	smul.u32 $0x8100, s14;
	v3 =	vld [tilespmem:s18+$0x10]  }
0x2f: {  	s30 =	sand.u32 $0x1, s11;
	v2 =	vld [tilespmem:s18+$0xFFFFFFF0]  }
0x30: {  	s15 =	smul.u32 $0x8100, s30;
	s14 =	sshrl.u32 s14, $0x2;
	v0 =	vld [tilespmem:s18+$0x0]  }
0x31: {  	v1 =	vld [tilespmem:s18+$0xFFFFFFE0];
	s16 =	sor.u32 $0x4000, s14  }
0x32: {  	s31 =	sshrl.u32 s15, $0x2;
	s15 =	sadd.s32 $0x0, s16  }
0x33: {  	s17 =	simm.s32 $0x4;
	s18 =	sadd.s32 $0x40, s18;
	s14 =	sor.u32 $0x4000, s31;
	[tilespmem:s15+$0x1830 ss:$0x81] =	vst.msk $0xffff, v3  }
.LBB1_3:
0x34: {  	v3 =	vld [tilespmem:s18+$0x10];
	p1 =	sne.s32 s17, $0x1FC;
	[tilespmem:s15+$0x810 ss:$0x81] =	vst.msk $0xffff, v2;
	s19 =	smov.u32 s17;
	s17 =	sadd.s32 $0x4, s17  }
.Ltmp3:
0x35: {  	v2 =	vld [tilespmem:s18+$0xFFFFFFF0];
	[tilespmem:s15+$0x1020 ss:$0x81] =	vst.msk $0xffff, v0;
	(pc) =	sbr.rel @p1 .LBB1_3-.Ltmp3, $4  }
0x36: {  	v0 =	vld [tilespmem:s18+$0x0];
	[tilespmem:s15+$0x0 ss:$0x81] =	vst.msk $0xffff, v1  }
0x37: {  	s15 =	sshra.s32 s19, $0x2;
	v1 =	vld [tilespmem:s18+$0xFFFFFFE0]  }
0x38: {  	s15 =	sadd.s32 s15, s16  }
0x39: {  	s18 =	sadd.s32 $0x40, s18;
	[tilespmem:s15+$0x1830 ss:$0x81] =	vst.msk $0xffff, v3  }
.Ltmp4:
0x3a: {  	_ = 	snop;
	(pc) =	sbr.rel .LBB1_4-.Ltmp4, $1  }
0x3b: {  	_ =	sdelay $0x3  }
.LBB1_6:
0x3c: {  	_ =	sfence.sel $0x180000  }
0x3d: {  	s2 =	simm.s32 $0x1;
	[bflag:$0x0] =	sbarrier.arrive $0xFFFF  }
0x3e: {  	s31 =	simm.s32 $0x2;
	[sflag:s2] =	ssyncpa.u1 $0x1  }
0x3f: {  	[sflag:s31] =	ssyncpa.u1 $0x1  }
0x40: {  	p0 =	sne.s32 s0, $0x0;
	_ =	strace $0x9000004A  }
0x41: {  	s0 =	sadd.s32 @!p0 $0x100000, s1;
	[bflag:$0x2] =	sbarrier.arrive $0xFFFF  }
0x42: {  	[sflag:s0] =	ssyncadd.tile.s32 @!p0 $0x1;
	_ =	shalt  }
.Lfunc_end1:
_tile_overlayer_lowered:
.L_overlay_start_2:
0x43: {  	(tag) =	ssettag $0x2  }
0x44: {  	s0 =	rddreg [dreg:$0x0];
	s2 =	stileid.u32  }
0x45: {  	s1 =	rddreg [dreg:$0x1];
	p0 =	sne.s32 s2, $0x0  }
0x46: {  	s3 =	rddreg [dreg:$0x2];
	[bflag:$0x3] =	sbarrier.arrive $0xFFFF;
	s2 =	simm.s32 @!p0 $0x1C01  }
0x47: {  	[timem:s3], [sflag:s2] =	dma.local @!p0 [hbm:s0], s1  }
0x48: {  	s0 =	simm.s32 @!p0 $0x1  }
0x49: {  	_ =	swait.ge @!p0 [sflag:s0], s1  }
0x4a: {  	s1 =	ssub.s32 @!p0 $0x0, s1;
	[sflag:s0] =	ssyncset.done @!p0 $0x0  }
0x4b: {  	[sflag:s0] =	ssyncadd.s32 @!p0 s1  }
0x4c: {  	[bflag:$0x3] =	sbarrier.arrive $0xFFFF  }
0x4d: {  	_ =	shalt  }

</sc_bundles>
